<compile_context>
chip_gen: v7x
topology: tpu7x:2x2x1
jax: 0.10.2.dev20260603
libtpu: 0.0.44.dev20260713+nightly
codegen_flags: <defaults>
</compile_context>

<pallas_src>
import functools

import jax
import jax.numpy as jnp
from jax import lax
from jax.experimental import pallas as pl
from jax.experimental.pallas import tpu as pltpu
from jax.experimental.pallas import tpu_sc as plsc

N_NODES = 10000
N_EDGES = 320000
D = 128
C = 16

NACC = 10240
NCORES = 2
NSUB = 16
NW = NCORES * NSUB
CHUNK = 128
EPW = 10112
NCHUNKS = EPW // CHUNK
EPAD = EPW * NW
ROWS_PER_TILE = NACC // NSUB


def _hist_body(src_hbm, dst_hbm, ones_hbm, zeros_hbm,
               dego_out, degi_out, acc_sh, idx, ones_v):
    cid = lax.axis_index("c")
    sid = lax.axis_index("s")
    wid = cid * NSUB + sid
    base = wid * EPW
    row0 = sid * ROWS_PER_TILE

    pltpu.sync_copy(ones_hbm, ones_v)

    for idx_hbm, out_hbm in ((src_hbm, dego_out), (dst_hbm, degi_out)):
        pltpu.sync_copy(zeros_hbm, acc_sh.at[pl.ds(row0, ROWS_PER_TILE)])
        plsc.subcore_barrier()

        def body(i, carry):
            off = base + i * CHUNK
            pltpu.sync_copy(idx_hbm.at[pl.ds(off, CHUNK)], idx)
            pltpu.sync_copy(ones_v, acc_sh.at[idx], add=True)
            return carry

        lax.fori_loop(0, NCHUNKS, body, 0)
        plsc.subcore_barrier()

        pltpu.sync_copy(acc_sh.at[pl.ds(row0, ROWS_PER_TILE)],
                        out_hbm.at[cid, pl.ds(row0, ROWS_PER_TILE)])


def _agg_body(h_hbm, src_hbm, dst_hbm, zeros_hbm, out_hbm,
              acc_sh, sidx, didx, rows, gsem):
    cid = lax.axis_index("c")
    sid = lax.axis_index("s")
    wid = cid * NSUB + sid
    base = wid * EPW
    row0 = sid * ROWS_PER_TILE

    pltpu.sync_copy(zeros_hbm, acc_sh.at[pl.ds(row0, ROWS_PER_TILE)])
    plsc.subcore_barrier()

    def body(i, carry):
        off = base + i * CHUNK
        pltpu.sync_copy(src_hbm.at[pl.ds(off, CHUNK)], sidx)
        pltpu.sync_copy(dst_hbm.at[pl.ds(off, CHUNK)], didx)
        pltpu.async_copy(h_hbm.at[sidx], rows, gsem).wait()
        pltpu.sync_copy(rows, acc_sh.at[didx], add=True)
        return carry

    lax.fori_loop(0, NCHUNKS, body, 0)
    plsc.subcore_barrier()

    pltpu.sync_copy(acc_sh.at[pl.ds(row0, ROWS_PER_TILE)],
                    out_hbm.at[cid, pl.ds(row0, ROWS_PER_TILE)])


@functools.cache
def _sc_kernels():
    mesh = plsc.VectorSubcoreMesh(core_axis_name="c", subcore_axis_name="s",
                                  num_cores=NCORES, num_subcores=NSUB)
    deg = pl.kernel(
        _hist_body,
        out_type=[
            jax.ShapeDtypeStruct((NCORES, NACC, D), jnp.float32),
            jax.ShapeDtypeStruct((NCORES, NACC, D), jnp.float32),
        ],
        mesh=mesh,
        scratch_types=[
            pltpu.VMEM_SHARED((NACC, D), jnp.float32),
            pltpu.VMEM((CHUNK,), jnp.int32),
            pltpu.VMEM((CHUNK, D), jnp.float32),
        ],
    )
    agg = pl.kernel(
        _agg_body,
        out_type=jax.ShapeDtypeStruct((NCORES, NACC, D), jnp.float32),
        mesh=mesh,
        scratch_types=[
            pltpu.VMEM_SHARED((NACC, D), jnp.float32),
            pltpu.VMEM((CHUNK,), jnp.int32),
            pltpu.VMEM((CHUNK,), jnp.int32),
            pltpu.VMEM((CHUNK, D), jnp.float32),
            pltpu.SemaphoreType.DMA,
        ],
    )
    return deg, agg



BLK = 512
NBLK = NACC // BLK


def _row_mask(pid):
    rows = pid * BLK + lax.broadcasted_iota(jnp.int32, (BLK, 1), 0)
    return rows < N_NODES


def _normprep_body(dego_ref, degi_ref, emb_ref, h_ref, ns_ref, nd_ref):
    do3 = dego_ref[...]
    di3 = degi_ref[...]
    do = jnp.sum(do3[0] + do3[1], axis=1, keepdims=True) * (1.0 / D)
    di = jnp.sum(di3[0] + di3[1], axis=1, keepdims=True) * (1.0 / D)
    ns = lax.rsqrt(jnp.maximum(do, 1.0))
    nd = lax.rsqrt(jnp.maximum(di, 1.0))
    ns_ref[...] = ns
    nd_ref[...] = nd
    h_ref[...] = emb_ref[...] * ns


_normprep = pl.pallas_call(
    _normprep_body,
    grid=(NBLK,),
    in_specs=[
        pl.BlockSpec((NCORES, BLK, D), lambda i: (0, i, 0)),
        pl.BlockSpec((NCORES, BLK, D), lambda i: (0, i, 0)),
        pl.BlockSpec((BLK, D), lambda i: (i, 0)),
    ],
    out_specs=[
        pl.BlockSpec((BLK, D), lambda i: (i, 0)),
        pl.BlockSpec((BLK, 1), lambda i: (i, 0)),
        pl.BlockSpec((BLK, 1), lambda i: (i, 0)),
    ],
    out_shape=[
        jax.ShapeDtypeStruct((NACC, D), jnp.float32),
        jax.ShapeDtypeStruct((NACC, 1), jnp.float32),
        jax.ShapeDtypeStruct((NACC, 1), jnp.float32),
    ],
)


def _dense_body(acc_ref, nd_ref, ns_ref, w_ref, b_ref, out_ref):
    pid = pl.program_id(0)
    a3 = acc_ref[...]
    agg = a3[0] + a3[1]
    t = jnp.dot(agg, w_ref[...], preferred_element_type=jnp.float32)
    y = jnp.maximum(t * nd_ref[...] + b_ref[...], 0.0)
    y = jnp.where(_row_mask(pid), y, 0.0)
    out_ref[...] = y * ns_ref[...]


_dense = pl.pallas_call(
    _dense_body,
    grid=(NBLK,),
    in_specs=[
        pl.BlockSpec((NCORES, BLK, D), lambda i: (0, i, 0)),
        pl.BlockSpec((BLK, 1), lambda i: (i, 0)),
        pl.BlockSpec((BLK, 1), lambda i: (i, 0)),
        pl.BlockSpec((D, D), lambda i: (0, 0)),
        pl.BlockSpec((1, D), lambda i: (0, 0)),
    ],
    out_specs=pl.BlockSpec((BLK, D), lambda i: (i, 0)),
    out_shape=jax.ShapeDtypeStruct((NACC, D), jnp.float32),
)


def _final_body(acc_ref, nd_ref, w_ref, b_ref, wc_ref, bc_ref,
                logits_ref, hg_ref):
    pid = pl.program_id(0)
    a3 = acc_ref[...]
    agg = a3[0] + a3[1]
    t = jnp.dot(agg, w_ref[...], preferred_element_type=jnp.float32)
    y = jnp.maximum(t * nd_ref[...] + b_ref[...], 0.0)
    y = jnp.where(_row_mask(pid), y, 0.0)
    s = jnp.sum(y, axis=0, keepdims=True)

    @pl.when(pid == 0)
    def _():
        hg_ref[...] = jnp.zeros_like(hg_ref)

    hg_ref[...] += s

    @pl.when(pid == NBLK - 1)
    def _():
        hgm = hg_ref[...] * (1.0 / N_NODES)
        hg_ref[...] = hgm
        logits_ref[...] = (
            jnp.dot(hgm, wc_ref[...], preferred_element_type=jnp.float32)
            + bc_ref[...])


_final = pl.pallas_call(
    _final_body,
    grid=(NBLK,),
    in_specs=[
        pl.BlockSpec((NCORES, BLK, D), lambda i: (0, i, 0)),
        pl.BlockSpec((BLK, 1), lambda i: (i, 0)),
        pl.BlockSpec((D, D), lambda i: (0, 0)),
        pl.BlockSpec((1, D), lambda i: (0, 0)),
        pl.BlockSpec((D, C), lambda i: (0, 0)),
        pl.BlockSpec((1, C), lambda i: (0, 0)),
    ],
    out_specs=[
        pl.BlockSpec((1, C), lambda i: (0, 0)),
        pl.BlockSpec((1, D), lambda i: (0, 0)),
    ],
    out_shape=[
        jax.ShapeDtypeStruct((1, C), jnp.float32),
        jax.ShapeDtypeStruct((1, D), jnp.float32),
    ],
)



def kernel(embedding, edge_index, W1, b1, W2, b2, W3, b3, W4, b4, Wc, bc):
    src = edge_index[0].astype(jnp.int32)
    dst = edge_index[1].astype(jnp.int32)
    pad = EPAD - N_EDGES
    src_p = jnp.concatenate([src, jnp.full((pad,), N_NODES, jnp.int32)])
    dst_p = jnp.concatenate([dst, jnp.full((pad,), N_NODES, jnp.int32)])
    emb_pad = jnp.pad(embedding, ((0, NACC - N_NODES), (0, 0)))

    zeros128 = jnp.zeros((ROWS_PER_TILE, D), jnp.float32)
    ones128 = jnp.ones((CHUNK, D), jnp.float32)

    deg_kernel, agg_kernel = _sc_kernels()
    dego, degi = deg_kernel(src_p, dst_p, ones128, zeros128)
    h, ns, nd = _normprep(dego, degi, emb_pad)

    for W, b in ((W1, b1), (W2, b2), (W3, b3)):
        acc = agg_kernel(h, src_p, dst_p, zeros128)
        h = _dense(acc, nd, ns, W, b.reshape(1, D))

    acc = agg_kernel(h, src_p, dst_p, zeros128)
    logits, hg = _final(acc, nd, W4, b4.reshape(1, D), Wc, bc.reshape(1, C))
    return (logits, hg)

# --- scband reference (transcript-rebuilt; emitter-appended) ---
"""Pipeline reference for scband-classifier-49220325212327 (READ-ONLY COPY).

The authoritative reference and input builder live on the scoring server;
editing this copy changes nothing except your own understanding.
"""

import jax, jax.numpy as jnp
import numpy as np

N = 10000
E = 320000
D = 128
H = 128
C = 16


def setup_inputs(seed: int = 0) -> dict:
    key = jax.random.key(seed)
    ks = jax.random.split(key, 12)
    embedding = jax.random.normal(ks[0], (N, D), dtype=jnp.float32)
    edge_index = jax.random.randint(ks[1], (2, E), 0, N, dtype=jnp.int32).astype(jnp.int64)
    s = 0.05
    W1 = jax.random.normal(ks[2], (D, H), dtype=jnp.float32) * s
    b1 = jnp.zeros((H,), dtype=jnp.float32)
    W2 = jax.random.normal(ks[3], (H, H), dtype=jnp.float32) * s
    b2 = jnp.zeros((H,), dtype=jnp.float32)
    W3 = jax.random.normal(ks[4], (H, H), dtype=jnp.float32) * s
    b3 = jnp.zeros((H,), dtype=jnp.float32)
    W4 = jax.random.normal(ks[5], (H, H), dtype=jnp.float32) * s
    b4 = jnp.zeros((H,), dtype=jnp.float32)
    Wc = jax.random.normal(ks[6], (H, C), dtype=jnp.float32) * s
    bc = jnp.zeros((C,), dtype=jnp.float32)
    return {"embedding": embedding, "edge_index": edge_index,
            "W1": W1, "b1": b1, "W2": W2, "b2": b2,
            "W3": W3, "b3": b3, "W4": W4, "b4": b4,
            "Wc": Wc, "bc": bc}


def reference(embedding, edge_index, W1, b1, W2, b2, W3, b3, W4, b4, Wc, bc):
    # DGL GraphConv with norm='both': h' = D_in^{-1/2} A D_out^{-1/2} h W + b
    src = edge_index[0]
    dst = edge_index[1]
    ones = jnp.ones((E,), dtype=jnp.float32)
    deg_out = jax.ops.segment_sum(ones, src, num_segments=N)
    deg_in = jax.ops.segment_sum(ones, dst, num_segments=N)
    norm_src = jax.lax.rsqrt(jnp.maximum(deg_out, 1.0))
    norm_dst = jax.lax.rsqrt(jnp.maximum(deg_in, 1.0))

    def conv(h, W, b):
        h = h * norm_src[:, None]
        m = jnp.take(h, src, axis=0)                      # gather per edge
        agg = jax.ops.segment_sum(m, dst, num_segments=N)  # scatter-add to dst
        agg = agg * norm_dst[:, None]
        return agg @ W + b

    h = jax.nn.relu(conv(embedding, W1, b1))
    h = jax.nn.relu(conv(h, W2, b2))
    h = jax.nn.relu(conv(h, W3, b3))
    h = jax.nn.relu(conv(h, W4, b4))
    hg = jnp.mean(h, axis=0, keepdims=True)  # dgl.mean_nodes, single graph -> [1, H]
    logits = hg @ Wc + bc
    return (logits, hg)

if __name__ == "__main__":
    import jax
    _d = setup_inputs()
    print(jax.jit(kernel)(*tuple(_d.values())))

</pallas_src>

<mosaic_0001>
#map = affine_map<(d0, d1) -> (0, 0)>
#map1 = affine_map<(d0, d1) -> (0)>
#map2 = affine_map<(d0, d1) -> (0, 0, 0)>
module attributes {stable_mosaic.version = 14 : i64} {
  func.func @_agg_body(%arg0: i32, %arg1: i32, %arg2: memref<10240x128xf32, #tpu.memory_space<hbm>>, %arg3: memref<323584xi32, #tpu.memory_space<hbm>>, %arg4: memref<323584xi32, #tpu.memory_space<hbm>>, %arg5: memref<640x128xf32, #tpu.memory_space<hbm>>, %arg6: memref<2x10240x128xf32, #tpu.memory_space<hbm>>, %arg7: memref<10240x128xf32, #tpu.memory_space<vmem_shared>>, %arg8: memref<128xi32, #tpu.memory_space<vmem>>, %arg9: memref<128xi32, #tpu.memory_space<vmem>>, %arg10: memref<128x128xf32, #tpu.memory_space<vmem>>, %arg11: memref<!tpu.dma_semaphore, #tpu.memory_space<semaphore_mem>>) attributes {dimension_semantics = [#tpu.dimension_semantics<core_parallel>, #tpu.dimension_semantics<subcore_parallel>], iteration_bounds = array<i64: 2, 16>, scalar_prefetch = 0 : i64, scratch_operands = 5 : i64, tpu.core_type = #tpu.core_type<sc_vector_subcore>, window_params = [{transform_indices = #map}, {transform_indices = #map1}, {transform_indices = #map1}, {transform_indices = #map}, {transform_indices = #map2}]} {
    %mul3A = arith.constant 16 : i32
    %mul3A_0 = arith.muli %arg0, %mul3A : i32
    %add3A = arith.addi %mul3A_0, %arg1 : i32
    %mul3A_1 = arith.constant 10112 : i32
    %mul3A_2 = arith.muli %add3A, %mul3A_1 : i32
    %mul3A_3 = arith.constant 640 : i32
    %mul3A_4 = arith.muli %arg1, %mul3A_3 : i32
    "tpu.region"() ({
      %run_scoped3A = tpu.sem_alloc : memref<!tpu.dma_semaphore, #tpu.memory_space<semaphore_mem>>
      %dma_start3A = arith.constant 0 : i32
      %dma_start3A_11 = tpu.memref_slice %arg7[%mul3A_4, %dma_start3A] : memref<10240x128xf32, #tpu.memory_space<vmem_shared>> -> memref<640x128xf32, #tpu.memory_space<vmem_shared>>
      tpu.enqueue_dma source(%arg5 : memref<640x128xf32, #tpu.memory_space<hbm>>) target(%dma_start3A_11 : memref<640x128xf32, #tpu.memory_space<vmem_shared>>) target_semaphore(%run_scoped3A : memref<!tpu.dma_semaphore, #tpu.memory_space<semaphore_mem>>)
      %dma_wait3A = arith.constant 0 : i32
      %dma_wait3A_12 = tpu.memref_slice %arg7[%mul3A_4, %dma_wait3A] : memref<10240x128xf32, #tpu.memory_space<vmem_shared>> -> memref<640x128xf32, #tpu.memory_space<vmem_shared>>
      tpu.wait_dma2 semaphore(%run_scoped3A : memref<!tpu.dma_semaphore, #tpu.memory_space<semaphore_mem>>) src(%arg5 : memref<640x128xf32, #tpu.memory_space<hbm>>) dst(%dma_wait3A_12 : memref<640x128xf32, #tpu.memory_space<vmem_shared>>)
      tpu.yield
    }) : () -> ()
    %barrier3A = arith.constant 0 : index
    tpu.barrier barrier_id(%barrier3A)
    %scan3A = arith.constant 0 : i32
    %scan3A_5 = arith.constant 0 : i32
    %scan3A_6 = arith.constant 79 : i32
    %scan3A_7 = arith.addi %scan3A_5, %scan3A_6 : i32
    %scan3A_8 = arith.constant 1 : i32
    scf.for %scan3A_11 = %scan3A_5 to %scan3A_7 step %scan3A_8  : i32 {
      %mul3A_12 = arith.constant 128 : i32
      %mul3A_13 = arith.muli %scan3A_11, %mul3A_12 : i32
      %add3A_14 = arith.addi %mul3A_2, %mul3A_13 : i32
      "tpu.region"() ({
        %run_scoped3A = tpu.sem_alloc : memref<!tpu.dma_semaphore, #tpu.memory_space<semaphore_mem>>
        %dma_start3A_19 = tpu.memref_slice %arg3[%add3A_14] : memref<323584xi32, #tpu.memory_space<hbm>> -> memref<128xi32, #tpu.memory_space<hbm>>
        %dma_start3A_20 = tpu.memref_slice %arg3[%add3A_14] : memref<323584xi32, #tpu.memory_space<hbm>> -> memref<128xi32, #tpu.memory_space<hbm>>
        tpu.enqueue_dma source(%dma_start3A_20 : memref<128xi32, #tpu.memory_space<hbm>>) target(%arg8 : memref<128xi32, #tpu.memory_space<vmem>>) target_semaphore(%run_scoped3A : memref<!tpu.dma_semaphore, #tpu.memory_space<semaphore_mem>>)
        %dma_wait3A_21 = tpu.memref_slice %arg3[%add3A_14] : memref<323584xi32, #tpu.memory_space<hbm>> -> memref<128xi32, #tpu.memory_space<hbm>>
        %dma_wait3A_22 = tpu.memref_slice %arg3[%add3A_14] : memref<323584xi32, #tpu.memory_space<hbm>> -> memref<128xi32, #tpu.memory_space<hbm>>
        tpu.wait_dma2 semaphore(%run_scoped3A : memref<!tpu.dma_semaphore, #tpu.memory_space<semaphore_mem>>) src(%dma_wait3A_22 : memref<128xi32, #tpu.memory_space<hbm>>) dst(%arg8 : memref<128xi32, #tpu.memory_space<vmem>>)
        tpu.yield
      }) : () -> ()
      "tpu.region"() ({
        %run_scoped3A = tpu.sem_alloc : memref<!tpu.dma_semaphore, #tpu.memory_space<semaphore_mem>>
        %dma_start3A_19 = tpu.memref_slice %arg4[%add3A_14] : memref<323584xi32, #tpu.memory_space<hbm>> -> memref<128xi32, #tpu.memory_space<hbm>>
        %dma_start3A_20 = tpu.memref_slice %arg4[%add3A_14] : memref<323584xi32, #tpu.memory_space<hbm>> -> memref<128xi32, #tpu.memory_space<hbm>>
        tpu.enqueue_dma source(%dma_start3A_20 : memref<128xi32, #tpu.memory_space<hbm>>) target(%arg9 : memref<128xi32, #tpu.memory_space<vmem>>) target_semaphore(%run_scoped3A : memref<!tpu.dma_semaphore, #tpu.memory_space<semaphore_mem>>)
        %dma_wait3A_21 = tpu.memref_slice %arg4[%add3A_14] : memref<323584xi32, #tpu.memory_space<hbm>> -> memref<128xi32, #tpu.memory_space<hbm>>
        %dma_wait3A_22 = tpu.memref_slice %arg4[%add3A_14] : memref<323584xi32, #tpu.memory_space<hbm>> -> memref<128xi32, #tpu.memory_space<hbm>>
        tpu.wait_dma2 semaphore(%run_scoped3A : memref<!tpu.dma_semaphore, #tpu.memory_space<semaphore_mem>>) src(%dma_wait3A_22 : memref<128xi32, #tpu.memory_space<hbm>>) dst(%arg9 : memref<128xi32, #tpu.memory_space<vmem>>)
        tpu.yield
      }) : () -> ()
      %dma_start3A = arith.constant 0 : i32
      %dma_start3A_15 = arith.constant 0 : i32
      %dma_start3A_16 = tpu.memref_slice %arg2[%dma_start3A, %dma_start3A_15] : memref<10240x128xf32, #tpu.memory_space<hbm>> -> memref<10240x128xf32, #tpu.memory_space<hbm>>
      tpu.enqueue_indirect_dma source(%dma_start3A_16 : memref<10240x128xf32, #tpu.memory_space<hbm>>) target(%arg10 : memref<128x128xf32, #tpu.memory_space<vmem>>) offsets(%arg8 : memref<128xi32, #tpu.memory_space<vmem>>) semaphore(%arg11 : memref<!tpu.dma_semaphore, #tpu.memory_space<semaphore_mem>>)
      %dma_wait3A = arith.constant 0 : i32
      %dma_wait3A_17 = arith.constant 0 : i32
      %dma_wait3A_18 = tpu.memref_slice %arg2[%dma_wait3A, %dma_wait3A_17] : memref<10240x128xf32, #tpu.memory_space<hbm>> -> memref<10240x128xf32, #tpu.memory_space<hbm>>
      tpu.wait_indirect_dma semaphore(%arg11 : memref<!tpu.dma_semaphore, #tpu.memory_space<semaphore_mem>>) src(%dma_wait3A_18 : memref<10240x128xf32, #tpu.memory_space<hbm>>) dst(%arg10 : memref<128x128xf32, #tpu.memory_space<vmem>>)
      "tpu.region"() ({
        %run_scoped3A = tpu.sem_alloc : memref<!tpu.dma_semaphore, #tpu.memory_space<semaphore_mem>>
        %dma_start3A_19 = arith.constant 0 : i32
        %dma_start3A_20 = arith.constant 0 : i32
        %dma_start3A_21 = tpu.memref_slice %arg7[%dma_start3A_19, %dma_start3A_20] : memref<10240x128xf32, #tpu.memory_space<vmem_shared>> -> memref<10240x128xf32, #tpu.memory_space<vmem_shared>>
        tpu.enqueue_indirect_dma source(%arg10 : memref<128x128xf32, #tpu.memory_space<vmem>>) target(%dma_start3A_21 : memref<10240x128xf32, #tpu.memory_space<vmem_shared>>) offsets(%arg9 : memref<128xi32, #tpu.memory_space<vmem>>) semaphore(%run_scoped3A : memref<!tpu.dma_semaphore, #tpu.memory_space<semaphore_mem>>) {add = true}
        %dma_wait3A_22 = arith.constant 0 : i32
        %dma_wait3A_23 = arith.constant 0 : i32
        %dma_wait3A_24 = tpu.memref_slice %arg7[%dma_wait3A_22, %dma_wait3A_23] : memref<10240x128xf32, #tpu.memory_space<vmem_shared>> -> memref<10240x128xf32, #tpu.memory_space<vmem_shared>>
        tpu.wait_indirect_dma semaphore(%run_scoped3A : memref<!tpu.dma_semaphore, #tpu.memory_space<semaphore_mem>>) src(%arg10 : memref<128x128xf32, #tpu.memory_space<vmem>>) dst(%dma_wait3A_24 : memref<10240x128xf32, #tpu.memory_space<vmem_shared>>)
        tpu.yield
      }) : () -> ()
    }
    %scan3A_9 = arith.constant 79 : i32
    %barrier3A_10 = arith.constant 0 : index
    tpu.barrier barrier_id(%barrier3A_10)
    "tpu.region"() ({
      %run_scoped3A = tpu.sem_alloc : memref<!tpu.dma_semaphore, #tpu.memory_space<semaphore_mem>>
      %dma_start3A = arith.constant 0 : i32
      %dma_start3A_11 = tpu.memref_slice %arg6[%arg0, %mul3A_4, %dma_start3A] : memref<2x10240x128xf32, #tpu.memory_space<hbm>> -> memref<1x640x128xf32, #tpu.memory_space<hbm>>
      %dma_start3A_12 = tpu.memref_squeeze %dma_start3A_11 : memref<1x640x128xf32, #tpu.memory_space<hbm>> -> memref<640x128xf32, #tpu.memory_space<hbm>>
      %dma_start3A_13 = arith.constant 0 : i32
      %dma_start3A_14 = tpu.memref_slice %arg7[%mul3A_4, %dma_start3A_13] : memref<10240x128xf32, #tpu.memory_space<vmem_shared>> -> memref<640x128xf32, #tpu.memory_space<vmem_shared>>
      tpu.enqueue_dma source(%dma_start3A_14 : memref<640x128xf32, #tpu.memory_space<vmem_shared>>) target(%dma_start3A_12 : memref<640x128xf32, #tpu.memory_space<hbm>>) target_semaphore(%run_scoped3A : memref<!tpu.dma_semaphore, #tpu.memory_space<semaphore_mem>>)
      %dma_wait3A = arith.constant 0 : i32
      %dma_wait3A_15 = tpu.memref_slice %arg6[%arg0, %mul3A_4, %dma_wait3A] : memref<2x10240x128xf32, #tpu.memory_space<hbm>> -> memref<1x640x128xf32, #tpu.memory_space<hbm>>
      %dma_wait3A_16 = tpu.memref_squeeze %dma_wait3A_15 : memref<1x640x128xf32, #tpu.memory_space<hbm>> -> memref<640x128xf32, #tpu.memory_space<hbm>>
      %dma_wait3A_17 = arith.constant 0 : i32
      %dma_wait3A_18 = tpu.memref_slice %arg7[%mul3A_4, %dma_wait3A_17] : memref<10240x128xf32, #tpu.memory_space<vmem_shared>> -> memref<640x128xf32, #tpu.memory_space<vmem_shared>>
      tpu.wait_dma2 semaphore(%run_scoped3A : memref<!tpu.dma_semaphore, #tpu.memory_space<semaphore_mem>>) src(%dma_wait3A_18 : memref<640x128xf32, #tpu.memory_space<vmem_shared>>) dst(%dma_wait3A_16 : memref<640x128xf32, #tpu.memory_space<hbm>>)
      tpu.yield
    }) : () -> ()
    return
  }
}

#map = affine_map<(d0, d1) -> (0, 0)>
#map1 = affine_map<(d0, d1) -> (0)>
#map2 = affine_map<(d0, d1) -> (0, 0, 0)>
module attributes {stable_mosaic.version = 14 : i64} {
  func.func @_agg_body(%arg0: i32, %arg1: i32, %arg2: memref<10240x128xf32, #tpu.memory_space<hbm>>, %arg3: memref<323584xi32, #tpu.memory_space<hbm>>, %arg4: memref<323584xi32, #tpu.memory_space<hbm>>, %arg5: memref<640x128xf32, #tpu.memory_space<hbm>>, %arg6: memref<2x10240x128xf32, #tpu.memory_space<hbm>>, %arg7: memref<10240x128xf32, #tpu.memory_space<vmem_shared>>, %arg8: memref<128xi32, #tpu.memory_space<vmem>>, %arg9: memref<128xi32, #tpu.memory_space<vmem>>, %arg10: memref<128x128xf32, #tpu.memory_space<vmem>>, %arg11: memref<!tpu.dma_semaphore, #tpu.memory_space<semaphore_mem>>) attributes {dimension_semantics = [#tpu.dimension_semantics<core_parallel>, #tpu.dimension_semantics<subcore_parallel>], iteration_bounds = array<i64: 2, 16>, scalar_prefetch = 0 : i64, scratch_operands = 5 : i64, tpu.core_type = #tpu.core_type<sc_vector_subcore>, window_params = [{transform_indices = #map}, {transform_indices = #map1}, {transform_indices = #map1}, {transform_indices = #map}, {transform_indices = #map2}]} {
    %mul3A = arith.constant 16 : i32
    %mul3A_0 = arith.muli %arg0, %mul3A : i32
    %add3A = arith.addi %mul3A_0, %arg1 : i32
    %mul3A_1 = arith.constant 10112 : i32
    %mul3A_2 = arith.muli %add3A, %mul3A_1 : i32
    %mul3A_3 = arith.constant 640 : i32
    %mul3A_4 = arith.muli %arg1, %mul3A_3 : i32
    "tpu.region"() ({
      %run_scoped3A = tpu.sem_alloc : memref<!tpu.dma_semaphore, #tpu.memory_space<semaphore_mem>>
      %dma_start3A = arith.constant 0 : i32
      %dma_start3A_11 = tpu.memref_slice %arg7[%mul3A_4, %dma_start3A] : memref<10240x128xf32, #tpu.memory_space<vmem_shared>> -> memref<640x128xf32, #tpu.memory_space<vmem_shared>>
      tpu.enqueue_dma source(%arg5 : memref<640x128xf32, #tpu.memory_space<hbm>>) target(%dma_start3A_11 : memref<640x128xf32, #tpu.memory_space<vmem_shared>>) target_semaphore(%run_scoped3A : memref<!tpu.dma_semaphore, #tpu.memory_space<semaphore_mem>>)
      %dma_wait3A = arith.constant 0 : i32
      %dma_wait3A_12 = tpu.memref_slice %arg7[%mul3A_4, %dma_wait3A] : memref<10240x128xf32, #tpu.memory_space<vmem_shared>> -> memref<640x128xf32, #tpu.memory_space<vmem_shared>>
      tpu.wait_dma2 semaphore(%run_scoped3A : memref<!tpu.dma_semaphore, #tpu.memory_space<semaphore_mem>>) src(%arg5 : memref<640x128xf32, #tpu.memory_space<hbm>>) dst(%dma_wait3A_12 : memref<640x128xf32, #tpu.memory_space<vmem_shared>>)
      tpu.yield
    }) : () -> ()
    %barrier3A = arith.constant 0 : index
    tpu.barrier barrier_id(%barrier3A)
    %scan3A = arith.constant 0 : i32
    %scan3A_5 = arith.constant 0 : i32
    %scan3A_6 = arith.constant 79 : i32
    %scan3A_7 = arith.addi %scan3A_5, %scan3A_6 : i32
    %scan3A_8 = arith.constant 1 : i32
    scf.for %scan3A_11 = %scan3A_5 to %scan3A_7 step %scan3A_8  : i32 {
      %mul3A_12 = arith.constant 128 : i32
      %mul3A_13 = arith.muli %scan3A_11, %mul3A_12 : i32
      %add3A_14 = arith.addi %mul3A_2, %mul3A_13 : i32
      "tpu.region"() ({
        %run_scoped3A = tpu.sem_alloc : memref<!tpu.dma_semaphore, #tpu.memory_space<semaphore_mem>>
        %dma_start3A_19 = tpu.memref_slice %arg3[%add3A_14] : memref<323584xi32, #tpu.memory_space<hbm>> -> memref<128xi32, #tpu.memory_space<hbm>>
        %dma_start3A_20 = tpu.memref_slice %arg3[%add3A_14] : memref<323584xi32, #tpu.memory_space<hbm>> -> memref<128xi32, #tpu.memory_space<hbm>>
        tpu.enqueue_dma source(%dma_start3A_20 : memref<128xi32, #tpu.memory_space<hbm>>) target(%arg8 : memref<128xi32, #tpu.memory_space<vmem>>) target_semaphore(%run_scoped3A : memref<!tpu.dma_semaphore, #tpu.memory_space<semaphore_mem>>)
        %dma_wait3A_21 = tpu.memref_slice %arg3[%add3A_14] : memref<323584xi32, #tpu.memory_space<hbm>> -> memref<128xi32, #tpu.memory_space<hbm>>
        %dma_wait3A_22 = tpu.memref_slice %arg3[%add3A_14] : memref<323584xi32, #tpu.memory_space<hbm>> -> memref<128xi32, #tpu.memory_space<hbm>>
        tpu.wait_dma2 semaphore(%run_scoped3A : memref<!tpu.dma_semaphore, #tpu.memory_space<semaphore_mem>>) src(%dma_wait3A_22 : memref<128xi32, #tpu.memory_space<hbm>>) dst(%arg8 : memref<128xi32, #tpu.memory_space<vmem>>)
        tpu.yield
      }) : () -> ()
      "tpu.region"() ({
        %run_scoped3A = tpu.sem_alloc : memref<!tpu.dma_semaphore, #tpu.memory_space<semaphore_mem>>
        %dma_start3A_19 = tpu.memref_slice %arg4[%add3A_14] : memref<323584xi32, #tpu.memory_space<hbm>> -> memref<128xi32, #tpu.memory_space<hbm>>
        %dma_start3A_20 = tpu.memref_slice %arg4[%add3A_14] : memref<323584xi32, #tpu.memory_space<hbm>> -> memref<128xi32, #tpu.memory_space<hbm>>
        tpu.enqueue_dma source(%dma_start3A_20 : memref<128xi32, #tpu.memory_space<hbm>>) target(%arg9 : memref<128xi32, #tpu.memory_space<vmem>>) target_semaphore(%run_scoped3A : memref<!tpu.dma_semaphore, #tpu.memory_space<semaphore_mem>>)
        %dma_wait3A_21 = tpu.memref_slice %arg4[%add3A_14] : memref<323584xi32, #tpu.memory_space<hbm>> -> memref<128xi32, #tpu.memory_space<hbm>>
        %dma_wait3A_22 = tpu.memref_slice %arg4[%add3A_14] : memref<323584xi32, #tpu.memory_space<hbm>> -> memref<128xi32, #tpu.memory_space<hbm>>
        tpu.wait_dma2 semaphore(%run_scoped3A : memref<!tpu.dma_semaphore, #tpu.memory_space<semaphore_mem>>) src(%dma_wait3A_22 : memref<128xi32, #tpu.memory_space<hbm>>) dst(%arg9 : memref<128xi32, #tpu.memory_space<vmem>>)
        tpu.yield
      }) : () -> ()
      %dma_start3A = arith.constant 0 : i32
      %dma_start3A_15 = arith.constant 0 : i32
      %dma_start3A_16 = tpu.memref_slice %arg2[%dma_start3A, %dma_start3A_15] : memref<10240x128xf32, #tpu.memory_space<hbm>> -> memref<10240x128xf32, #tpu.memory_space<hbm>>
      tpu.enqueue_indirect_dma source(%dma_start3A_16 : memref<10240x128xf32, #tpu.memory_space<hbm>>) target(%arg10 : memref<128x128xf32, #tpu.memory_space<vmem>>) offsets(%arg8 : memref<128xi32, #tpu.memory_space<vmem>>) semaphore(%arg11 : memref<!tpu.dma_semaphore, #tpu.memory_space<semaphore_mem>>)
      %dma_wait3A = arith.constant 0 : i32
      %dma_wait3A_17 = arith.constant 0 : i32
      %dma_wait3A_18 = tpu.memref_slice %arg2[%dma_wait3A, %dma_wait3A_17] : memref<10240x128xf32, #tpu.memory_space<hbm>> -> memref<10240x128xf32, #tpu.memory_space<hbm>>
      tpu.wait_indirect_dma semaphore(%arg11 : memref<!tpu.dma_semaphore, #tpu.memory_space<semaphore_mem>>) src(%dma_wait3A_18 : memref<10240x128xf32, #tpu.memory_space<hbm>>) dst(%arg10 : memref<128x128xf32, #tpu.memory_space<vmem>>)
      "tpu.region"() ({
        %run_scoped3A = tpu.sem_alloc : memref<!tpu.dma_semaphore, #tpu.memory_space<semaphore_mem>>
        %dma_start3A_19 = arith.constant 0 : i32
        %dma_start3A_20 = arith.constant 0 : i32
        %dma_start3A_21 = tpu.memref_slice %arg7[%dma_start3A_19, %dma_start3A_20] : memref<10240x128xf32, #tpu.memory_space<vmem_shared>> -> memref<10240x128xf32, #tpu.memory_space<vmem_shared>>
        tpu.enqueue_indirect_dma source(%arg10 : memref<128x128xf32, #tpu.memory_space<vmem>>) target(%dma_start3A_21 : memref<10240x128xf32, #tpu.memory_space<vmem_shared>>) offsets(%arg9 : memref<128xi32, #tpu.memory_space<vmem>>) semaphore(%run_scoped3A : memref<!tpu.dma_semaphore, #tpu.memory_space<semaphore_mem>>) {add = true}
        %dma_wait3A_22 = arith.constant 0 : i32
        %dma_wait3A_23 = arith.constant 0 : i32
        %dma_wait3A_24 = tpu.memref_slice %arg7[%dma_wait3A_22, %dma_wait3A_23] : memref<10240x128xf32, #tpu.memory_space<vmem_shared>> -> memref<10240x128xf32, #tpu.memory_space<vmem_shared>>
        tpu.wait_indirect_dma semaphore(%run_scoped3A : memref<!tpu.dma_semaphore, #tpu.memory_space<semaphore_mem>>) src(%arg10 : memref<128x128xf32, #tpu.memory_space<vmem>>) dst(%dma_wait3A_24 : memref<10240x128xf32, #tpu.memory_space<vmem_shared>>)
        tpu.yield
      }) : () -> ()
    }
    %scan3A_9 = arith.constant 79 : i32
    %barrier3A_10 = arith.constant 0 : index
    tpu.barrier barrier_id(%barrier3A_10)
    "tpu.region"() ({
      %run_scoped3A = tpu.sem_alloc : memref<!tpu.dma_semaphore, #tpu.memory_space<semaphore_mem>>
      %dma_start3A = arith.constant 0 : i32
      %dma_start3A_11 = tpu.memref_slice %arg6[%arg0, %mul3A_4, %dma_start3A] : memref<2x10240x128xf32, #tpu.memory_space<hbm>> -> memref<1x640x128xf32, #tpu.memory_space<hbm>>
      %dma_start3A_12 = tpu.memref_squeeze %dma_start3A_11 : memref<1x640x128xf32, #tpu.memory_space<hbm>> -> memref<640x128xf32, #tpu.memory_space<hbm>>
      %dma_start3A_13 = arith.constant 0 : i32
      %dma_start3A_14 = tpu.memref_slice %arg7[%mul3A_4, %dma_start3A_13] : memref<10240x128xf32, #tpu.memory_space<vmem_shared>> -> memref<640x128xf32, #tpu.memory_space<vmem_shared>>
      tpu.enqueue_dma source(%dma_start3A_14 : memref<640x128xf32, #tpu.memory_space<vmem_shared>>) target(%dma_start3A_12 : memref<640x128xf32, #tpu.memory_space<hbm>>) target_semaphore(%run_scoped3A : memref<!tpu.dma_semaphore, #tpu.memory_space<semaphore_mem>>)
      %dma_wait3A = arith.constant 0 : i32
      %dma_wait3A_15 = tpu.memref_slice %arg6[%arg0, %mul3A_4, %dma_wait3A] : memref<2x10240x128xf32, #tpu.memory_space<hbm>> -> memref<1x640x128xf32, #tpu.memory_space<hbm>>
      %dma_wait3A_16 = tpu.memref_squeeze %dma_wait3A_15 : memref<1x640x128xf32, #tpu.memory_space<hbm>> -> memref<640x128xf32, #tpu.memory_space<hbm>>
      %dma_wait3A_17 = arith.constant 0 : i32
      %dma_wait3A_18 = tpu.memref_slice %arg7[%mul3A_4, %dma_wait3A_17] : memref<10240x128xf32, #tpu.memory_space<vmem_shared>> -> memref<640x128xf32, #tpu.memory_space<vmem_shared>>
      tpu.wait_dma2 semaphore(%run_scoped3A : memref<!tpu.dma_semaphore, #tpu.memory_space<semaphore_mem>>) src(%dma_wait3A_18 : memref<640x128xf32, #tpu.memory_space<vmem_shared>>) dst(%dma_wait3A_16 : memref<640x128xf32, #tpu.memory_space<hbm>>)
      tpu.yield
    }) : () -> ()
    return
  }
}

#map = affine_map<(d0, d1) -> (0)>
#map1 = affine_map<(d0, d1) -> (0, 0)>
#map2 = affine_map<(d0, d1) -> (0, 0, 0)>
module attributes {stable_mosaic.version = 14 : i64} {
  func.func @_hist_body(%arg0: i32, %arg1: i32, %arg2: memref<323584xi32, #tpu.memory_space<hbm>>, %arg3: memref<323584xi32, #tpu.memory_space<hbm>>, %arg4: memref<128x128xf32, #tpu.memory_space<hbm>>, %arg5: memref<640x128xf32, #tpu.memory_space<hbm>>, %arg6: memref<2x10240x128xf32, #tpu.memory_space<hbm>>, %arg7: memref<2x10240x128xf32, #tpu.memory_space<hbm>>, %arg8: memref<10240x128xf32, #tpu.memory_space<vmem_shared>>, %arg9: memref<128xi32, #tpu.memory_space<vmem>>, %arg10: memref<128x128xf32, #tpu.memory_space<vmem>>) attributes {dimension_semantics = [#tpu.dimension_semantics<core_parallel>, #tpu.dimension_semantics<subcore_parallel>], iteration_bounds = array<i64: 2, 16>, scalar_prefetch = 0 : i64, scratch_operands = 3 : i64, tpu.core_type = #tpu.core_type<sc_vector_subcore>, window_params = [{transform_indices = #map}, {transform_indices = #map}, {transform_indices = #map1}, {transform_indices = #map1}, {transform_indices = #map2}, {transform_indices = #map2}]} {
    %mul3A = arith.constant 16 : i32
    %mul3A_0 = arith.muli %arg0, %mul3A : i32
    %add3A = arith.addi %mul3A_0, %arg1 : i32
    %mul3A_1 = arith.constant 10112 : i32
    %mul3A_2 = arith.muli %add3A, %mul3A_1 : i32
    %mul3A_3 = arith.constant 640 : i32
    %mul3A_4 = arith.muli %arg1, %mul3A_3 : i32
    "tpu.region"() ({
      %run_scoped3A = tpu.sem_alloc : memref<!tpu.dma_semaphore, #tpu.memory_space<semaphore_mem>>
      tpu.enqueue_dma source(%arg4 : memref<128x128xf32, #tpu.memory_space<hbm>>) target(%arg10 : memref<128x128xf32, #tpu.memory_space<vmem>>) target_semaphore(%run_scoped3A : memref<!tpu.dma_semaphore, #tpu.memory_space<semaphore_mem>>)
      tpu.wait_dma2 semaphore(%run_scoped3A : memref<!tpu.dma_semaphore, #tpu.memory_space<semaphore_mem>>) src(%arg4 : memref<128x128xf32, #tpu.memory_space<hbm>>) dst(%arg10 : memref<128x128xf32, #tpu.memory_space<vmem>>)
      tpu.yield
    }) : () -> ()
    "tpu.region"() ({
      %run_scoped3A = tpu.sem_alloc : memref<!tpu.dma_semaphore, #tpu.memory_space<semaphore_mem>>
      %dma_start3A = arith.constant 0 : i32
      %dma_start3A_19 = tpu.memref_slice %arg8[%mul3A_4, %dma_start3A] : memref<10240x128xf32, #tpu.memory_space<vmem_shared>> -> memref<640x128xf32, #tpu.memory_space<vmem_shared>>
      tpu.enqueue_dma source(%arg5 : memref<640x128xf32, #tpu.memory_space<hbm>>) target(%dma_start3A_19 : memref<640x128xf32, #tpu.memory_space<vmem_shared>>) target_semaphore(%run_scoped3A : memref<!tpu.dma_semaphore, #tpu.memory_space<semaphore_mem>>)
      %dma_wait3A = arith.constant 0 : i32
      %dma_wait3A_20 = tpu.memref_slice %arg8[%mul3A_4, %dma_wait3A] : memref<10240x128xf32, #tpu.memory_space<vmem_shared>> -> memref<640x128xf32, #tpu.memory_space<vmem_shared>>
      tpu.wait_dma2 semaphore(%run_scoped3A : memref<!tpu.dma_semaphore, #tpu.memory_space<semaphore_mem>>) src(%arg5 : memref<640x128xf32, #tpu.memory_space<hbm>>) dst(%dma_wait3A_20 : memref<640x128xf32, #tpu.memory_space<vmem_shared>>)
      tpu.yield
    }) : () -> ()
    %barrier3A = arith.constant 0 : index
    tpu.barrier barrier_id(%barrier3A)
    %scan3A = arith.constant 0 : i32
    %scan3A_5 = arith.constant 0 : i32
    %scan3A_6 = arith.constant 79 : i32
    %scan3A_7 = arith.addi %scan3A_5, %scan3A_6 : i32
    %scan3A_8 = arith.constant 1 : i32
    scf.for %scan3A_19 = %scan3A_5 to %scan3A_7 step %scan3A_8  : i32 {
      %mul3A_20 = arith.constant 128 : i32
      %mul3A_21 = arith.muli %scan3A_19, %mul3A_20 : i32
      %add3A_22 = arith.addi %mul3A_2, %mul3A_21 : i32
      "tpu.region"() ({
        %run_scoped3A = tpu.sem_alloc : memref<!tpu.dma_semaphore, #tpu.memory_space<semaphore_mem>>
        %dma_start3A = tpu.memref_slice %arg2[%add3A_22] : memref<323584xi32, #tpu.memory_space<hbm>> -> memref<128xi32, #tpu.memory_space<hbm>>
        %dma_start3A_23 = tpu.memref_slice %arg2[%add3A_22] : memref<323584xi32, #tpu.memory_space<hbm>> -> memref<128xi32, #tpu.memory_space<hbm>>
        tpu.enqueue_dma source(%dma_start3A_23 : memref<128xi32, #tpu.memory_space<hbm>>) target(%arg9 : memref<128xi32, #tpu.memory_space<vmem>>) target_semaphore(%run_scoped3A : memref<!tpu.dma_semaphore, #tpu.memory_space<semaphore_mem>>)
        %dma_wait3A = tpu.memref_slice %arg2[%add3A_22] : memref<323584xi32, #tpu.memory_space<hbm>> -> memref<128xi32, #tpu.memory_space<hbm>>
        %dma_wait3A_24 = tpu.memref_slice %arg2[%add3A_22] : memref<323584xi32, #tpu.memory_space<hbm>> -> memref<128xi32, #tpu.memory_space<hbm>>
        tpu.wait_dma2 semaphore(%run_scoped3A : memref<!tpu.dma_semaphore, #tpu.memory_space<semaphore_mem>>) src(%dma_wait3A_24 : memref<128xi32, #tpu.memory_space<hbm>>) dst(%arg9 : memref<128xi32, #tpu.memory_space<vmem>>)
        tpu.yield
      }) : () -> ()
      "tpu.region"() ({
        %run_scoped3A = tpu.sem_alloc : memref<!tpu.dma_semaphore, #tpu.memory_space<semaphore_mem>>
        %dma_start3A = arith.constant 0 : i32
        %dma_start3A_23 = arith.constant 0 : i32
        %dma_start3A_24 = tpu.memref_slice %arg8[%dma_start3A, %dma_start3A_23] : memref<10240x128xf32, #tpu.memory_space<vmem_shared>> -> memref<10240x128xf32, #tpu.memory_space<vmem_shared>>
        tpu.enqueue_indirect_dma source(%arg10 : memref<128x128xf32, #tpu.memory_space<vmem>>) target(%dma_start3A_24 : memref<10240x128xf32, #tpu.memory_space<vmem_shared>>) offsets(%arg9 : memref<128xi32, #tpu.memory_space<vmem>>) semaphore(%run_scoped3A : memref<!tpu.dma_semaphore, #tpu.memory_space<semaphore_mem>>) {add = true}
        %dma_wait3A = arith.constant 0 : i32
        %dma_wait3A_25 = arith.constant 0 : i32
        %dma_wait3A_26 = tpu.memref_slice %arg8[%dma_wait3A, %dma_wait3A_25] : memref<10240x128xf32, #tpu.memory_space<vmem_shared>> -> memref<10240x128xf32, #tpu.memory_space<vmem_shared>>
        tpu.wait_indirect_dma semaphore(%run_scoped3A : memref<!tpu.dma_semaphore, #tpu.memory_space<semaphore_mem>>) src(%arg10 : memref<128x128xf32, #tpu.memory_space<vmem>>) dst(%dma_wait3A_26 : memref<10240x128xf32, #tpu.memory_space<vmem_shared>>)
        tpu.yield
      }) : () -> ()
    }
    %scan3A_9 = arith.constant 79 : i32
    %barrier3A_10 = arith.constant 0 : index
    tpu.barrier barrier_id(%barrier3A_10)
    "tpu.region"() ({
      %run_scoped3A = tpu.sem_alloc : memref<!tpu.dma_semaphore, #tpu.memory_space<semaphore_mem>>
      %dma_start3A = arith.constant 0 : i32
      %dma_start3A_19 = tpu.memref_slice %arg6[%arg0, %mul3A_4, %dma_start3A] : memref<2x10240x128xf32, #tpu.memory_space<hbm>> -> memref<1x640x128xf32, #tpu.memory_space<hbm>>
      %dma_start3A_20 = tpu.memref_squeeze %dma_start3A_19 : memref<1x640x128xf32, #tpu.memory_space<hbm>> -> memref<640x128xf32, #tpu.memory_space<hbm>>
      %dma_start3A_21 = arith.constant 0 : i32
      %dma_start3A_22 = tpu.memref_slice %arg8[%mul3A_4, %dma_start3A_21] : memref<10240x128xf32, #tpu.memory_space<vmem_shared>> -> memref<640x128xf32, #tpu.memory_space<vmem_shared>>
      tpu.enqueue_dma source(%dma_start3A_22 : memref<640x128xf32, #tpu.memory_space<vmem_shared>>) target(%dma_start3A_20 : memref<640x128xf32, #tpu.memory_space<hbm>>) target_semaphore(%run_scoped3A : memref<!tpu.dma_semaphore, #tpu.memory_space<semaphore_mem>>)
      %dma_wait3A = arith.constant 0 : i32
      %dma_wait3A_23 = tpu.memref_slice %arg6[%arg0, %mul3A_4, %dma_wait3A] : memref<2x10240x128xf32, #tpu.memory_space<hbm>> -> memref<1x640x128xf32, #tpu.memory_space<hbm>>
      %dma_wait3A_24 = tpu.memref_squeeze %dma_wait3A_23 : memref<1x640x128xf32, #tpu.memory_space<hbm>> -> memref<640x128xf32, #tpu.memory_space<hbm>>
      %dma_wait3A_25 = arith.constant 0 : i32
      %dma_wait3A_26 = tpu.memref_slice %arg8[%mul3A_4, %dma_wait3A_25] : memref<10240x128xf32, #tpu.memory_space<vmem_shared>> -> memref<640x128xf32, #tpu.memory_space<vmem_shared>>
      tpu.wait_dma2 semaphore(%run_scoped3A : memref<!tpu.dma_semaphore, #tpu.memory_space<semaphore_mem>>) src(%dma_wait3A_26 : memref<640x128xf32, #tpu.memory_space<vmem_shared>>) dst(%dma_wait3A_24 : memref<640x128xf32, #tpu.memory_space<hbm>>)
      tpu.yield
    }) : () -> ()
    "tpu.region"() ({
      %run_scoped3A = tpu.sem_alloc : memref<!tpu.dma_semaphore, #tpu.memory_space<semaphore_mem>>
      %dma_start3A = arith.constant 0 : i32
      %dma_start3A_19 = tpu.memref_slice %arg8[%mul3A_4, %dma_start3A] : memref<10240x128xf32, #tpu.memory_space<vmem_shared>> -> memref<640x128xf32, #tpu.memory_space<vmem_shared>>
      tpu.enqueue_dma source(%arg5 : memref<640x128xf32, #tpu.memory_space<hbm>>) target(%dma_start3A_19 : memref<640x128xf32, #tpu.memory_space<vmem_shared>>) target_semaphore(%run_scoped3A : memref<!tpu.dma_semaphore, #tpu.memory_space<semaphore_mem>>)
      %dma_wait3A = arith.constant 0 : i32
      %dma_wait3A_20 = tpu.memref_slice %arg8[%mul3A_4, %dma_wait3A] : memref<10240x128xf32, #tpu.memory_space<vmem_shared>> -> memref<640x128xf32, #tpu.memory_space<vmem_shared>>
      tpu.wait_dma2 semaphore(%run_scoped3A : memref<!tpu.dma_semaphore, #tpu.memory_space<semaphore_mem>>) src(%arg5 : memref<640x128xf32, #tpu.memory_space<hbm>>) dst(%dma_wait3A_20 : memref<640x128xf32, #tpu.memory_space<vmem_shared>>)
      tpu.yield
    }) : () -> ()
    %barrier3A_11 = arith.constant 0 : index
    tpu.barrier barrier_id(%barrier3A_11)
    %scan3A_12 = arith.constant 0 : i32
    %scan3A_13 = arith.constant 0 : i32
    %scan3A_14 = arith.constant 79 : i32
    %scan3A_15 = arith.addi %scan3A_13, %scan3A_14 : i32
    %scan3A_16 = arith.constant 1 : i32
    scf.for %scan3A_19 = %scan3A_13 to %scan3A_15 step %scan3A_16  : i32 {
      %mul3A_20 = arith.constant 128 : i32
      %mul3A_21 = arith.muli %scan3A_19, %mul3A_20 : i32
      %add3A_22 = arith.addi %mul3A_2, %mul3A_21 : i32
      "tpu.region"() ({
        %run_scoped3A = tpu.sem_alloc : memref<!tpu.dma_semaphore, #tpu.memory_space<semaphore_mem>>
        %dma_start3A = tpu.memref_slice %arg3[%add3A_22] : memref<323584xi32, #tpu.memory_space<hbm>> -> memref<128xi32, #tpu.memory_space<hbm>>
        %dma_start3A_23 = tpu.memref_slice %arg3[%add3A_22] : memref<323584xi32, #tpu.memory_space<hbm>> -> memref<128xi32, #tpu.memory_space<hbm>>
        tpu.enqueue_dma source(%dma_start3A_23 : memref<128xi32, #tpu.memory_space<hbm>>) target(%arg9 : memref<128xi32, #tpu.memory_space<vmem>>) target_semaphore(%run_scoped3A : memref<!tpu.dma_semaphore, #tpu.memory_space<semaphore_mem>>)
        %dma_wait3A = tpu.memref_slice %arg3[%add3A_22] : memref<323584xi32, #tpu.memory_space<hbm>> -> memref<128xi32, #tpu.memory_space<hbm>>
        %dma_wait3A_24 = tpu.memref_slice %arg3[%add3A_22] : memref<323584xi32, #tpu.memory_space<hbm>> -> memref<128xi32, #tpu.memory_space<hbm>>
        tpu.wait_dma2 semaphore(%run_scoped3A : memref<!tpu.dma_semaphore, #tpu.memory_space<semaphore_mem>>) src(%dma_wait3A_24 : memref<128xi32, #tpu.memory_space<hbm>>) dst(%arg9 : memref<128xi32, #tpu.memory_space<vmem>>)
        tpu.yield
      }) : () -> ()
      "tpu.region"() ({
        %run_scoped3A = tpu.sem_alloc : memref<!tpu.dma_semaphore, #tpu.memory_space<semaphore_mem>>
        %dma_start3A = arith.constant 0 : i32
        %dma_start3A_23 = arith.constant 0 : i32
        %dma_start3A_24 = tpu.memref_slice %arg8[%dma_start3A, %dma_start3A_23] : memref<10240x128xf32, #tpu.memory_space<vmem_shared>> -> memref<10240x128xf32, #tpu.memory_space<vmem_shared>>
        tpu.enqueue_indirect_dma source(%arg10 : memref<128x128xf32, #tpu.memory_space<vmem>>) target(%dma_start3A_24 : memref<10240x128xf32, #tpu.memory_space<vmem_shared>>) offsets(%arg9 : memref<128xi32, #tpu.memory_space<vmem>>) semaphore(%run_scoped3A : memref<!tpu.dma_semaphore, #tpu.memory_space<semaphore_mem>>) {add = true}
        %dma_wait3A = arith.constant 0 : i32
        %dma_wait3A_25 = arith.constant 0 : i32
        %dma_wait3A_26 = tpu.memref_slice %arg8[%dma_wait3A, %dma_wait3A_25] : memref<10240x128xf32, #tpu.memory_space<vmem_shared>> -> memref<10240x128xf32, #tpu.memory_space<vmem_shared>>
        tpu.wait_indirect_dma semaphore(%run_scoped3A : memref<!tpu.dma_semaphore, #tpu.memory_space<semaphore_mem>>) src(%arg10 : memref<128x128xf32, #tpu.memory_space<vmem>>) dst(%dma_wait3A_26 : memref<10240x128xf32, #tpu.memory_space<vmem_shared>>)
        tpu.yield
      }) : () -> ()
    }
    %scan3A_17 = arith.constant 79 : i32
    %barrier3A_18 = arith.constant 0 : index
    tpu.barrier barrier_id(%barrier3A_18)
    "tpu.region"() ({
      %run_scoped3A = tpu.sem_alloc : memref<!tpu.dma_semaphore, #tpu.memory_space<semaphore_mem>>
      %dma_start3A = arith.constant 0 : i32
      %dma_start3A_19 = tpu.memref_slice %arg7[%arg0, %mul3A_4, %dma_start3A] : memref<2x10240x128xf32, #tpu.memory_space<hbm>> -> memref<1x640x128xf32, #tpu.memory_space<hbm>>
      %dma_start3A_20 = tpu.memref_squeeze %dma_start3A_19 : memref<1x640x128xf32, #tpu.memory_space<hbm>> -> memref<640x128xf32, #tpu.memory_space<hbm>>
      %dma_start3A_21 = arith.constant 0 : i32
      %dma_start3A_22 = tpu.memref_slice %arg8[%mul3A_4, %dma_start3A_21] : memref<10240x128xf32, #tpu.memory_space<vmem_shared>> -> memref<640x128xf32, #tpu.memory_space<vmem_shared>>
      tpu.enqueue_dma source(%dma_start3A_22 : memref<640x128xf32, #tpu.memory_space<vmem_shared>>) target(%dma_start3A_20 : memref<640x128xf32, #tpu.memory_space<hbm>>) target_semaphore(%run_scoped3A : memref<!tpu.dma_semaphore, #tpu.memory_space<semaphore_mem>>)
      %dma_wait3A = arith.constant 0 : i32
      %dma_wait3A_23 = tpu.memref_slice %arg7[%arg0, %mul3A_4, %dma_wait3A] : memref<2x10240x128xf32, #tpu.memory_space<hbm>> -> memref<1x640x128xf32, #tpu.memory_space<hbm>>
      %dma_wait3A_24 = tpu.memref_squeeze %dma_wait3A_23 : memref<1x640x128xf32, #tpu.memory_space<hbm>> -> memref<640x128xf32, #tpu.memory_space<hbm>>
      %dma_wait3A_25 = arith.constant 0 : i32
      %dma_wait3A_26 = tpu.memref_slice %arg8[%mul3A_4, %dma_wait3A_25] : memref<10240x128xf32, #tpu.memory_space<vmem_shared>> -> memref<640x128xf32, #tpu.memory_space<vmem_shared>>
      tpu.wait_dma2 semaphore(%run_scoped3A : memref<!tpu.dma_semaphore, #tpu.memory_space<semaphore_mem>>) src(%dma_wait3A_26 : memref<640x128xf32, #tpu.memory_space<vmem_shared>>) dst(%dma_wait3A_24 : memref<640x128xf32, #tpu.memory_space<hbm>>)
      tpu.yield
    }) : () -> ()
    return
  }
}

#map = affine_map<(d0, d1) -> (0, 0)>
#map1 = affine_map<(d0, d1) -> (0)>
#map2 = affine_map<(d0, d1) -> (0, 0, 0)>
module attributes {stable_mosaic.version = 14 : i64} {
  func.func @_agg_body(%arg0: i32, %arg1: i32, %arg2: memref<10240x128xf32, #tpu.memory_space<hbm>>, %arg3: memref<323584xi32, #tpu.memory_space<hbm>>, %arg4: memref<323584xi32, #tpu.memory_space<hbm>>, %arg5: memref<640x128xf32, #tpu.memory_space<hbm>>, %arg6: memref<2x10240x128xf32, #tpu.memory_space<hbm>>, %arg7: memref<10240x128xf32, #tpu.memory_space<vmem_shared>>, %arg8: memref<128xi32, #tpu.memory_space<vmem>>, %arg9: memref<128xi32, #tpu.memory_space<vmem>>, %arg10: memref<128x128xf32, #tpu.memory_space<vmem>>, %arg11: memref<!tpu.dma_semaphore, #tpu.memory_space<semaphore_mem>>) attributes {dimension_semantics = [#tpu.dimension_semantics<core_parallel>, #tpu.dimension_semantics<subcore_parallel>], iteration_bounds = array<i64: 2, 16>, scalar_prefetch = 0 : i64, scratch_operands = 5 : i64, tpu.core_type = #tpu.core_type<sc_vector_subcore>, window_params = [{transform_indices = #map}, {transform_indices = #map1}, {transform_indices = #map1}, {transform_indices = #map}, {transform_indices = #map2}]} {
    %mul3A = arith.constant 16 : i32
    %mul3A_0 = arith.muli %arg0, %mul3A : i32
    %add3A = arith.addi %mul3A_0, %arg1 : i32
    %mul3A_1 = arith.constant 10112 : i32
    %mul3A_2 = arith.muli %add3A, %mul3A_1 : i32
    %mul3A_3 = arith.constant 640 : i32
    %mul3A_4 = arith.muli %arg1, %mul3A_3 : i32
    "tpu.region"() ({
      %run_scoped3A = tpu.sem_alloc : memref<!tpu.dma_semaphore, #tpu.memory_space<semaphore_mem>>
      %dma_start3A = arith.constant 0 : i32
      %dma_start3A_11 = tpu.memref_slice %arg7[%mul3A_4, %dma_start3A] : memref<10240x128xf32, #tpu.memory_space<vmem_shared>> -> memref<640x128xf32, #tpu.memory_space<vmem_shared>>
      tpu.enqueue_dma source(%arg5 : memref<640x128xf32, #tpu.memory_space<hbm>>) target(%dma_start3A_11 : memref<640x128xf32, #tpu.memory_space<vmem_shared>>) target_semaphore(%run_scoped3A : memref<!tpu.dma_semaphore, #tpu.memory_space<semaphore_mem>>)
      %dma_wait3A = arith.constant 0 : i32
      %dma_wait3A_12 = tpu.memref_slice %arg7[%mul3A_4, %dma_wait3A] : memref<10240x128xf32, #tpu.memory_space<vmem_shared>> -> memref<640x128xf32, #tpu.memory_space<vmem_shared>>
      tpu.wait_dma2 semaphore(%run_scoped3A : memref<!tpu.dma_semaphore, #tpu.memory_space<semaphore_mem>>) src(%arg5 : memref<640x128xf32, #tpu.memory_space<hbm>>) dst(%dma_wait3A_12 : memref<640x128xf32, #tpu.memory_space<vmem_shared>>)
      tpu.yield
    }) : () -> ()
    %barrier3A = arith.constant 0 : index
    tpu.barrier barrier_id(%barrier3A)
    %scan3A = arith.constant 0 : i32
    %scan3A_5 = arith.constant 0 : i32
    %scan3A_6 = arith.constant 79 : i32
    %scan3A_7 = arith.addi %scan3A_5, %scan3A_6 : i32
    %scan3A_8 = arith.constant 1 : i32
    scf.for %scan3A_11 = %scan3A_5 to %scan3A_7 step %scan3A_8  : i32 {
      %mul3A_12 = arith.constant 128 : i32
      %mul3A_13 = arith.muli %scan3A_11, %mul3A_12 : i32
      %add3A_14 = arith.addi %mul3A_2, %mul3A_13 : i32
      "tpu.region"() ({
        %run_scoped3A = tpu.sem_alloc : memref<!tpu.dma_semaphore, #tpu.memory_space<semaphore_mem>>
        %dma_start3A_19 = tpu.memref_slice %arg3[%add3A_14] : memref<323584xi32, #tpu.memory_space<hbm>> -> memref<128xi32, #tpu.memory_space<hbm>>
        %dma_start3A_20 = tpu.memref_slice %arg3[%add3A_14] : memref<323584xi32, #tpu.memory_space<hbm>> -> memref<128xi32, #tpu.memory_space<hbm>>
        tpu.enqueue_dma source(%dma_start3A_20 : memref<128xi32, #tpu.memory_space<hbm>>) target(%arg8 : memref<128xi32, #tpu.memory_space<vmem>>) target_semaphore(%run_scoped3A : memref<!tpu.dma_semaphore, #tpu.memory_space<semaphore_mem>>)
        %dma_wait3A_21 = tpu.memref_slice %arg3[%add3A_14] : memref<323584xi32, #tpu.memory_space<hbm>> -> memref<128xi32, #tpu.memory_space<hbm>>
        %dma_wait3A_22 = tpu.memref_slice %arg3[%add3A_14] : memref<323584xi32, #tpu.memory_space<hbm>> -> memref<128xi32, #tpu.memory_space<hbm>>
        tpu.wait_dma2 semaphore(%run_scoped3A : memref<!tpu.dma_semaphore, #tpu.memory_space<semaphore_mem>>) src(%dma_wait3A_22 : memref<128xi32, #tpu.memory_space<hbm>>) dst(%arg8 : memref<128xi32, #tpu.memory_space<vmem>>)
        tpu.yield
      }) : () -> ()
      "tpu.region"() ({
        %run_scoped3A = tpu.sem_alloc : memref<!tpu.dma_semaphore, #tpu.memory_space<semaphore_mem>>
        %dma_start3A_19 = tpu.memref_slice %arg4[%add3A_14] : memref<323584xi32, #tpu.memory_space<hbm>> -> memref<128xi32, #tpu.memory_space<hbm>>
        %dma_start3A_20 = tpu.memref_slice %arg4[%add3A_14] : memref<323584xi32, #tpu.memory_space<hbm>> -> memref<128xi32, #tpu.memory_space<hbm>>
        tpu.enqueue_dma source(%dma_start3A_20 : memref<128xi32, #tpu.memory_space<hbm>>) target(%arg9 : memref<128xi32, #tpu.memory_space<vmem>>) target_semaphore(%run_scoped3A : memref<!tpu.dma_semaphore, #tpu.memory_space<semaphore_mem>>)
        %dma_wait3A_21 = tpu.memref_slice %arg4[%add3A_14] : memref<323584xi32, #tpu.memory_space<hbm>> -> memref<128xi32, #tpu.memory_space<hbm>>
        %dma_wait3A_22 = tpu.memref_slice %arg4[%add3A_14] : memref<323584xi32, #tpu.memory_space<hbm>> -> memref<128xi32, #tpu.memory_space<hbm>>
        tpu.wait_dma2 semaphore(%run_scoped3A : memref<!tpu.dma_semaphore, #tpu.memory_space<semaphore_mem>>) src(%dma_wait3A_22 : memref<128xi32, #tpu.memory_space<hbm>>) dst(%arg9 : memref<128xi32, #tpu.memory_space<vmem>>)
        tpu.yield
      }) : () -> ()
      %dma_start3A = arith.constant 0 : i32
      %dma_start3A_15 = arith.constant 0 : i32
      %dma_start3A_16 = tpu.memref_slice %arg2[%dma_start3A, %dma_start3A_15] : memref<10240x128xf32, #tpu.memory_space<hbm>> -> memref<10240x128xf32, #tpu.memory_space<hbm>>
      tpu.enqueue_indirect_dma source(%dma_start3A_16 : memref<10240x128xf32, #tpu.memory_space<hbm>>) target(%arg10 : memref<128x128xf32, #tpu.memory_space<vmem>>) offsets(%arg8 : memref<128xi32, #tpu.memory_space<vmem>>) semaphore(%arg11 : memref<!tpu.dma_semaphore, #tpu.memory_space<semaphore_mem>>)
      %dma_wait3A = arith.constant 0 : i32
      %dma_wait3A_17 = arith.constant 0 : i32
      %dma_wait3A_18 = tpu.memref_slice %arg2[%dma_wait3A, %dma_wait3A_17] : memref<10240x128xf32, #tpu.memory_space<hbm>> -> memref<10240x128xf32, #tpu.memory_space<hbm>>
      tpu.wait_indirect_dma semaphore(%arg11 : memref<!tpu.dma_semaphore, #tpu.memory_space<semaphore_mem>>) src(%dma_wait3A_18 : memref<10240x128xf32, #tpu.memory_space<hbm>>) dst(%arg10 : memref<128x128xf32, #tpu.memory_space<vmem>>)
      "tpu.region"() ({
        %run_scoped3A = tpu.sem_alloc : memref<!tpu.dma_semaphore, #tpu.memory_space<semaphore_mem>>
        %dma_start3A_19 = arith.constant 0 : i32
        %dma_start3A_20 = arith.constant 0 : i32
        %dma_start3A_21 = tpu.memref_slice %arg7[%dma_start3A_19, %dma_start3A_20] : memref<10240x128xf32, #tpu.memory_space<vmem_shared>> -> memref<10240x128xf32, #tpu.memory_space<vmem_shared>>
        tpu.enqueue_indirect_dma source(%arg10 : memref<128x128xf32, #tpu.memory_space<vmem>>) target(%dma_start3A_21 : memref<10240x128xf32, #tpu.memory_space<vmem_shared>>) offsets(%arg9 : memref<128xi32, #tpu.memory_space<vmem>>) semaphore(%run_scoped3A : memref<!tpu.dma_semaphore, #tpu.memory_space<semaphore_mem>>) {add = true}
        %dma_wait3A_22 = arith.constant 0 : i32
        %dma_wait3A_23 = arith.constant 0 : i32
        %dma_wait3A_24 = tpu.memref_slice %arg7[%dma_wait3A_22, %dma_wait3A_23] : memref<10240x128xf32, #tpu.memory_space<vmem_shared>> -> memref<10240x128xf32, #tpu.memory_space<vmem_shared>>
        tpu.wait_indirect_dma semaphore(%run_scoped3A : memref<!tpu.dma_semaphore, #tpu.memory_space<semaphore_mem>>) src(%arg10 : memref<128x128xf32, #tpu.memory_space<vmem>>) dst(%dma_wait3A_24 : memref<10240x128xf32, #tpu.memory_space<vmem_shared>>)
        tpu.yield
      }) : () -> ()
    }
    %scan3A_9 = arith.constant 79 : i32
    %barrier3A_10 = arith.constant 0 : index
    tpu.barrier barrier_id(%barrier3A_10)
    "tpu.region"() ({
      %run_scoped3A = tpu.sem_alloc : memref<!tpu.dma_semaphore, #tpu.memory_space<semaphore_mem>>
      %dma_start3A = arith.constant 0 : i32
      %dma_start3A_11 = tpu.memref_slice %arg6[%arg0, %mul3A_4, %dma_start3A] : memref<2x10240x128xf32, #tpu.memory_space<hbm>> -> memref<1x640x128xf32, #tpu.memory_space<hbm>>
      %dma_start3A_12 = tpu.memref_squeeze %dma_start3A_11 : memref<1x640x128xf32, #tpu.memory_space<hbm>> -> memref<640x128xf32, #tpu.memory_space<hbm>>
      %dma_start3A_13 = arith.constant 0 : i32
      %dma_start3A_14 = tpu.memref_slice %arg7[%mul3A_4, %dma_start3A_13] : memref<10240x128xf32, #tpu.memory_space<vmem_shared>> -> memref<640x128xf32, #tpu.memory_space<vmem_shared>>
      tpu.enqueue_dma source(%dma_start3A_14 : memref<640x128xf32, #tpu.memory_space<vmem_shared>>) target(%dma_start3A_12 : memref<640x128xf32, #tpu.memory_space<hbm>>) target_semaphore(%run_scoped3A : memref<!tpu.dma_semaphore, #tpu.memory_space<semaphore_mem>>)
      %dma_wait3A = arith.constant 0 : i32
      %dma_wait3A_15 = tpu.memref_slice %arg6[%arg0, %mul3A_4, %dma_wait3A] : memref<2x10240x128xf32, #tpu.memory_space<hbm>> -> memref<1x640x128xf32, #tpu.memory_space<hbm>>
      %dma_wait3A_16 = tpu.memref_squeeze %dma_wait3A_15 : memref<1x640x128xf32, #tpu.memory_space<hbm>> -> memref<640x128xf32, #tpu.memory_space<hbm>>
      %dma_wait3A_17 = arith.constant 0 : i32
      %dma_wait3A_18 = tpu.memref_slice %arg7[%mul3A_4, %dma_wait3A_17] : memref<10240x128xf32, #tpu.memory_space<vmem_shared>> -> memref<640x128xf32, #tpu.memory_space<vmem_shared>>
      tpu.wait_dma2 semaphore(%run_scoped3A : memref<!tpu.dma_semaphore, #tpu.memory_space<semaphore_mem>>) src(%dma_wait3A_18 : memref<640x128xf32, #tpu.memory_space<vmem_shared>>) dst(%dma_wait3A_16 : memref<640x128xf32, #tpu.memory_space<hbm>>)
      tpu.yield
    }) : () -> ()
    return
  }
}

#map = affine_map<(d0, d1) -> (0, 0)>
#map1 = affine_map<(d0, d1) -> (0)>
#map2 = affine_map<(d0, d1) -> (0, 0, 0)>
module attributes {stable_mosaic.version = 14 : i64} {
  func.func @_agg_body(%arg0: i32, %arg1: i32, %arg2: memref<10240x128xf32, #tpu.memory_space<hbm>>, %arg3: memref<323584xi32, #tpu.memory_space<hbm>>, %arg4: memref<323584xi32, #tpu.memory_space<hbm>>, %arg5: memref<640x128xf32, #tpu.memory_space<hbm>>, %arg6: memref<2x10240x128xf32, #tpu.memory_space<hbm>>, %arg7: memref<10240x128xf32, #tpu.memory_space<vmem_shared>>, %arg8: memref<128xi32, #tpu.memory_space<vmem>>, %arg9: memref<128xi32, #tpu.memory_space<vmem>>, %arg10: memref<128x128xf32, #tpu.memory_space<vmem>>, %arg11: memref<!tpu.dma_semaphore, #tpu.memory_space<semaphore_mem>>) attributes {dimension_semantics = [#tpu.dimension_semantics<core_parallel>, #tpu.dimension_semantics<subcore_parallel>], iteration_bounds = array<i64: 2, 16>, scalar_prefetch = 0 : i64, scratch_operands = 5 : i64, tpu.core_type = #tpu.core_type<sc_vector_subcore>, window_params = [{transform_indices = #map}, {transform_indices = #map1}, {transform_indices = #map1}, {transform_indices = #map}, {transform_indices = #map2}]} {
    %mul3A = arith.constant 16 : i32
    %mul3A_0 = arith.muli %arg0, %mul3A : i32
    %add3A = arith.addi %mul3A_0, %arg1 : i32
    %mul3A_1 = arith.constant 10112 : i32
    %mul3A_2 = arith.muli %add3A, %mul3A_1 : i32
    %mul3A_3 = arith.constant 640 : i32
    %mul3A_4 = arith.muli %arg1, %mul3A_3 : i32
    "tpu.region"() ({
      %run_scoped3A = tpu.sem_alloc : memref<!tpu.dma_semaphore, #tpu.memory_space<semaphore_mem>>
      %dma_start3A = arith.constant 0 : i32
      %dma_start3A_11 = tpu.memref_slice %arg7[%mul3A_4, %dma_start3A] : memref<10240x128xf32, #tpu.memory_space<vmem_shared>> -> memref<640x128xf32, #tpu.memory_space<vmem_shared>>
      tpu.enqueue_dma source(%arg5 : memref<640x128xf32, #tpu.memory_space<hbm>>) target(%dma_start3A_11 : memref<640x128xf32, #tpu.memory_space<vmem_shared>>) target_semaphore(%run_scoped3A : memref<!tpu.dma_semaphore, #tpu.memory_space<semaphore_mem>>)
      %dma_wait3A = arith.constant 0 : i32
      %dma_wait3A_12 = tpu.memref_slice %arg7[%mul3A_4, %dma_wait3A] : memref<10240x128xf32, #tpu.memory_space<vmem_shared>> -> memref<640x128xf32, #tpu.memory_space<vmem_shared>>
      tpu.wait_dma2 semaphore(%run_scoped3A : memref<!tpu.dma_semaphore, #tpu.memory_space<semaphore_mem>>) src(%arg5 : memref<640x128xf32, #tpu.memory_space<hbm>>) dst(%dma_wait3A_12 : memref<640x128xf32, #tpu.memory_space<vmem_shared>>)
      tpu.yield
    }) : () -> ()
    %barrier3A = arith.constant 0 : index
    tpu.barrier barrier_id(%barrier3A)
    %scan3A = arith.constant 0 : i32
    %scan3A_5 = arith.constant 0 : i32
    %scan3A_6 = arith.constant 79 : i32
    %scan3A_7 = arith.addi %scan3A_5, %scan3A_6 : i32
    %scan3A_8 = arith.constant 1 : i32
    scf.for %scan3A_11 = %scan3A_5 to %scan3A_7 step %scan3A_8  : i32 {
      %mul3A_12 = arith.constant 128 : i32
      %mul3A_13 = arith.muli %scan3A_11, %mul3A_12 : i32
      %add3A_14 = arith.addi %mul3A_2, %mul3A_13 : i32
      "tpu.region"() ({
        %run_scoped3A = tpu.sem_alloc : memref<!tpu.dma_semaphore, #tpu.memory_space<semaphore_mem>>
        %dma_start3A_19 = tpu.memref_slice %arg3[%add3A_14] : memref<323584xi32, #tpu.memory_space<hbm>> -> memref<128xi32, #tpu.memory_space<hbm>>
        %dma_start3A_20 = tpu.memref_slice %arg3[%add3A_14] : memref<323584xi32, #tpu.memory_space<hbm>> -> memref<128xi32, #tpu.memory_space<hbm>>
        tpu.enqueue_dma source(%dma_start3A_20 : memref<128xi32, #tpu.memory_space<hbm>>) target(%arg8 : memref<128xi32, #tpu.memory_space<vmem>>) target_semaphore(%run_scoped3A : memref<!tpu.dma_semaphore, #tpu.memory_space<semaphore_mem>>)
        %dma_wait3A_21 = tpu.memref_slice %arg3[%add3A_14] : memref<323584xi32, #tpu.memory_space<hbm>> -> memref<128xi32, #tpu.memory_space<hbm>>
        %dma_wait3A_22 = tpu.memref_slice %arg3[%add3A_14] : memref<323584xi32, #tpu.memory_space<hbm>> -> memref<128xi32, #tpu.memory_space<hbm>>
        tpu.wait_dma2 semaphore(%run_scoped3A : memref<!tpu.dma_semaphore, #tpu.memory_space<semaphore_mem>>) src(%dma_wait3A_22 : memref<128xi32, #tpu.memory_space<hbm>>) dst(%arg8 : memref<128xi32, #tpu.memory_space<vmem>>)
        tpu.yield
      }) : () -> ()
      "tpu.region"() ({
        %run_scoped3A = tpu.sem_alloc : memref<!tpu.dma_semaphore, #tpu.memory_space<semaphore_mem>>
        %dma_start3A_19 = tpu.memref_slice %arg4[%add3A_14] : memref<323584xi32, #tpu.memory_space<hbm>> -> memref<128xi32, #tpu.memory_space<hbm>>
        %dma_start3A_20 = tpu.memref_slice %arg4[%add3A_14] : memref<323584xi32, #tpu.memory_space<hbm>> -> memref<128xi32, #tpu.memory_space<hbm>>
        tpu.enqueue_dma source(%dma_start3A_20 : memref<128xi32, #tpu.memory_space<hbm>>) target(%arg9 : memref<128xi32, #tpu.memory_space<vmem>>) target_semaphore(%run_scoped3A : memref<!tpu.dma_semaphore, #tpu.memory_space<semaphore_mem>>)
        %dma_wait3A_21 = tpu.memref_slice %arg4[%add3A_14] : memref<323584xi32, #tpu.memory_space<hbm>> -> memref<128xi32, #tpu.memory_space<hbm>>
        %dma_wait3A_22 = tpu.memref_slice %arg4[%add3A_14] : memref<323584xi32, #tpu.memory_space<hbm>> -> memref<128xi32, #tpu.memory_space<hbm>>
        tpu.wait_dma2 semaphore(%run_scoped3A : memref<!tpu.dma_semaphore, #tpu.memory_space<semaphore_mem>>) src(%dma_wait3A_22 : memref<128xi32, #tpu.memory_space<hbm>>) dst(%arg9 : memref<128xi32, #tpu.memory_space<vmem>>)
        tpu.yield
      }) : () -> ()
      %dma_start3A = arith.constant 0 : i32
      %dma_start3A_15 = arith.constant 0 : i32
      %dma_start3A_16 = tpu.memref_slice %arg2[%dma_start3A, %dma_start3A_15] : memref<10240x128xf32, #tpu.memory_space<hbm>> -> memref<10240x128xf32, #tpu.memory_space<hbm>>
      tpu.enqueue_indirect_dma source(%dma_start3A_16 : memref<10240x128xf32, #tpu.memory_space<hbm>>) target(%arg10 : memref<128x128xf32, #tpu.memory_space<vmem>>) offsets(%arg8 : memref<128xi32, #tpu.memory_space<vmem>>) semaphore(%arg11 : memref<!tpu.dma_semaphore, #tpu.memory_space<semaphore_mem>>)
      %dma_wait3A = arith.constant 0 : i32
      %dma_wait3A_17 = arith.constant 0 : i32
      %dma_wait3A_18 = tpu.memref_slice %arg2[%dma_wait3A, %dma_wait3A_17] : memref<10240x128xf32, #tpu.memory_space<hbm>> -> memref<10240x128xf32, #tpu.memory_space<hbm>>
      tpu.wait_indirect_dma semaphore(%arg11 : memref<!tpu.dma_semaphore, #tpu.memory_space<semaphore_mem>>) src(%dma_wait3A_18 : memref<10240x128xf32, #tpu.memory_space<hbm>>) dst(%arg10 : memref<128x128xf32, #tpu.memory_space<vmem>>)
      "tpu.region"() ({
        %run_scoped3A = tpu.sem_alloc : memref<!tpu.dma_semaphore, #tpu.memory_space<semaphore_mem>>
        %dma_start3A_19 = arith.constant 0 : i32
        %dma_start3A_20 = arith.constant 0 : i32
        %dma_start3A_21 = tpu.memref_slice %arg7[%dma_start3A_19, %dma_start3A_20] : memref<10240x128xf32, #tpu.memory_space<vmem_shared>> -> memref<10240x128xf32, #tpu.memory_space<vmem_shared>>
        tpu.enqueue_indirect_dma source(%arg10 : memref<128x128xf32, #tpu.memory_space<vmem>>) target(%dma_start3A_21 : memref<10240x128xf32, #tpu.memory_space<vmem_shared>>) offsets(%arg9 : memref<128xi32, #tpu.memory_space<vmem>>) semaphore(%run_scoped3A : memref<!tpu.dma_semaphore, #tpu.memory_space<semaphore_mem>>) {add = true}
        %dma_wait3A_22 = arith.constant 0 : i32
        %dma_wait3A_23 = arith.constant 0 : i32
        %dma_wait3A_24 = tpu.memref_slice %arg7[%dma_wait3A_22, %dma_wait3A_23] : memref<10240x128xf32, #tpu.memory_space<vmem_shared>> -> memref<10240x128xf32, #tpu.memory_space<vmem_shared>>
        tpu.wait_indirect_dma semaphore(%run_scoped3A : memref<!tpu.dma_semaphore, #tpu.memory_space<semaphore_mem>>) src(%arg10 : memref<128x128xf32, #tpu.memory_space<vmem>>) dst(%dma_wait3A_24 : memref<10240x128xf32, #tpu.memory_space<vmem_shared>>)
        tpu.yield
      }) : () -> ()
    }
    %scan3A_9 = arith.constant 79 : i32
    %barrier3A_10 = arith.constant 0 : index
    tpu.barrier barrier_id(%barrier3A_10)
    "tpu.region"() ({
      %run_scoped3A = tpu.sem_alloc : memref<!tpu.dma_semaphore, #tpu.memory_space<semaphore_mem>>
      %dma_start3A = arith.constant 0 : i32
      %dma_start3A_11 = tpu.memref_slice %arg6[%arg0, %mul3A_4, %dma_start3A] : memref<2x10240x128xf32, #tpu.memory_space<hbm>> -> memref<1x640x128xf32, #tpu.memory_space<hbm>>
      %dma_start3A_12 = tpu.memref_squeeze %dma_start3A_11 : memref<1x640x128xf32, #tpu.memory_space<hbm>> -> memref<640x128xf32, #tpu.memory_space<hbm>>
      %dma_start3A_13 = arith.constant 0 : i32
      %dma_start3A_14 = tpu.memref_slice %arg7[%mul3A_4, %dma_start3A_13] : memref<10240x128xf32, #tpu.memory_space<vmem_shared>> -> memref<640x128xf32, #tpu.memory_space<vmem_shared>>
      tpu.enqueue_dma source(%dma_start3A_14 : memref<640x128xf32, #tpu.memory_space<vmem_shared>>) target(%dma_start3A_12 : memref<640x128xf32, #tpu.memory_space<hbm>>) target_semaphore(%run_scoped3A : memref<!tpu.dma_semaphore, #tpu.memory_space<semaphore_mem>>)
      %dma_wait3A = arith.constant 0 : i32
      %dma_wait3A_15 = tpu.memref_slice %arg6[%arg0, %mul3A_4, %dma_wait3A] : memref<2x10240x128xf32, #tpu.memory_space<hbm>> -> memref<1x640x128xf32, #tpu.memory_space<hbm>>
      %dma_wait3A_16 = tpu.memref_squeeze %dma_wait3A_15 : memref<1x640x128xf32, #tpu.memory_space<hbm>> -> memref<640x128xf32, #tpu.memory_space<hbm>>
      %dma_wait3A_17 = arith.constant 0 : i32
      %dma_wait3A_18 = tpu.memref_slice %arg7[%mul3A_4, %dma_wait3A_17] : memref<10240x128xf32, #tpu.memory_space<vmem_shared>> -> memref<640x128xf32, #tpu.memory_space<vmem_shared>>
      tpu.wait_dma2 semaphore(%run_scoped3A : memref<!tpu.dma_semaphore, #tpu.memory_space<semaphore_mem>>) src(%dma_wait3A_18 : memref<640x128xf32, #tpu.memory_space<vmem_shared>>) dst(%dma_wait3A_16 : memref<640x128xf32, #tpu.memory_space<hbm>>)
      tpu.yield
    }) : () -> ()
    return
  }
}

module attributes {stable_mosaic.version = 14 : i64} {
  func.func @_normprep_body(%arg0: i32, %arg1: memref<2x512x128xf32, #tpu.memory_space<vmem>>, %arg2: memref<2x512x128xf32, #tpu.memory_space<vmem>>, %arg3: memref<512x128xf32, #tpu.memory_space<vmem>>, %arg4: memref<512x128xf32, #tpu.memory_space<vmem>>, %arg5: memref<512x1xf32, #tpu.memory_space<vmem>>, %arg6: memref<512x1xf32, #tpu.memory_space<vmem>>) attributes {dimension_semantics = [#tpu.dimension_semantics<arbitrary>], iteration_bounds = array<i64: 20>, scalar_prefetch = 0 : i64, scratch_operands = 0 : i64, tpu.core_type = #tpu.core_type<tc>, window_params = [{transform_indices = @transform_0, window_bounds = array<i64: 2, 512, 128>}, {transform_indices = @transform_1, window_bounds = array<i64: 2, 512, 128>}, {transform_indices = @transform_2, window_bounds = array<i64: 512, 128>}, {transform_indices = @transform_3, window_bounds = array<i64: 512, 128>}, {transform_indices = @transform_4, window_bounds = array<i64: 512, 1>}, {transform_indices = @transform_5, window_bounds = array<i64: 512, 1>}]} {
    %get3A = arith.constant 0 : index
    %get3A_0 = arith.constant 0 : index
    %get3A_1 = arith.constant 0 : index
    %get3A_2 = vector.load %arg1[%get3A, %get3A_0, %get3A_1] : memref<2x512x128xf32, #tpu.memory_space<vmem>>, vector<2x512x128xf32>
    %get3A_3 = arith.constant 0 : index
    %get3A_4 = arith.constant 0 : index
    %get3A_5 = arith.constant 0 : index
    %get3A_6 = vector.load %arg2[%get3A_3, %get3A_4, %get3A_5] : memref<2x512x128xf32, #tpu.memory_space<vmem>>, vector<2x512x128xf32>
    %slice3A = vector.extract_strided_slice %get3A_2 {offsets = [0, 0, 0], sizes = [1, 512, 128], strides = [1, 1, 1]} : vector<2x512x128xf32> to vector<1x512x128xf32>
    %squeeze3A = vector.shape_cast %slice3A : vector<1x512x128xf32> to vector<512x128xf32>
    %slice3A_7 = vector.extract_strided_slice %get3A_2 {offsets = [1, 0, 0], sizes = [1, 512, 128], strides = [1, 1, 1]} : vector<2x512x128xf32> to vector<1x512x128xf32>
    %squeeze3A_8 = vector.shape_cast %slice3A_7 : vector<1x512x128xf32> to vector<512x128xf32>
    %add3A = arith.addf %squeeze3A, %squeeze3A_8 : vector<512x128xf32>
    %reduce_sum3A = arith.constant dense<0.000000e+00> : vector<512xf32>
    %reduce_sum3A_9 = vector.multi_reduction <add>, %add3A, %reduce_sum3A [1] : vector<512x128xf32> to vector<512xf32>
    %broadcast_in_dim3A = vector.shape_cast %reduce_sum3A_9 : vector<512xf32> to vector<512x1xf32>
    %mul3A = arith.constant 7.812500e-03 : f32
    %mul3A_10 = vector.broadcast %mul3A : f32 to vector<512x1xf32>
    %mul3A_11 = arith.mulf %broadcast_in_dim3A, %mul3A_10 : vector<512x1xf32>
    %slice3A_12 = vector.extract_strided_slice %get3A_6 {offsets = [0, 0, 0], sizes = [1, 512, 128], strides = [1, 1, 1]} : vector<2x512x128xf32> to vector<1x512x128xf32>
    %squeeze3A_13 = vector.shape_cast %slice3A_12 : vector<1x512x128xf32> to vector<512x128xf32>
    %slice3A_14 = vector.extract_strided_slice %get3A_6 {offsets = [1, 0, 0], sizes = [1, 512, 128], strides = [1, 1, 1]} : vector<2x512x128xf32> to vector<1x512x128xf32>
    %squeeze3A_15 = vector.shape_cast %slice3A_14 : vector<1x512x128xf32> to vector<512x128xf32>
    %add3A_16 = arith.addf %squeeze3A_13, %squeeze3A_15 : vector<512x128xf32>
    %reduce_sum3A_17 = arith.constant dense<0.000000e+00> : vector<512xf32>
    %reduce_sum3A_18 = vector.multi_reduction <add>, %add3A_16, %reduce_sum3A_17 [1] : vector<512x128xf32> to vector<512xf32>
    %broadcast_in_dim3A_19 = vector.shape_cast %reduce_sum3A_18 : vector<512xf32> to vector<512x1xf32>
    %mul3A_20 = arith.constant 7.812500e-03 : f32
    %mul3A_21 = vector.broadcast %mul3A_20 : f32 to vector<512x1xf32>
    %mul3A_22 = arith.mulf %broadcast_in_dim3A_19, %mul3A_21 : vector<512x1xf32>
    %max3A = arith.constant 1.000000e+00 : f32
    %max3A_23 = vector.broadcast %max3A : f32 to vector<512x1xf32>
    %max3A_24 = arith.maximumf %mul3A_11, %max3A_23 : vector<512x1xf32>
    %rsqrt3A = math.rsqrt %max3A_24 : vector<512x1xf32>
    %max3A_25 = arith.constant 1.000000e+00 : f32
    %max3A_26 = vector.broadcast %max3A_25 : f32 to vector<512x1xf32>
    %max3A_27 = arith.maximumf %mul3A_22, %max3A_26 : vector<512x1xf32>
    %rsqrt3A_28 = math.rsqrt %max3A_27 : vector<512x1xf32>
    %swap3A = arith.constant 0 : index
    %swap3A_29 = arith.constant 0 : index
    %swap3A_30 = vector.load %arg5[%swap3A, %swap3A_29] : memref<512x1xf32, #tpu.memory_space<vmem>>, vector<512x1xf32>
    tpu.vector_store %arg5[%swap3A, %swap3A_29], %rsqrt3A {strides = array<i32>} : memref<512x1xf32, #tpu.memory_space<vmem>>, vector<512x1xf32>,
    %swap3A_31 = arith.constant 0 : index
    %swap3A_32 = arith.constant 0 : index
    %swap3A_33 = vector.load %arg6[%swap3A_31, %swap3A_32] : memref<512x1xf32, #tpu.memory_space<vmem>>, vector<512x1xf32>
    tpu.vector_store %arg6[%swap3A_31, %swap3A_32], %rsqrt3A_28 {strides = array<i32>} : memref<512x1xf32, #tpu.memory_space<vmem>>, vector<512x1xf32>,
    %get3A_34 = arith.constant 0 : index
    %get3A_35 = arith.constant 0 : index
    %get3A_36 = vector.load %arg3[%get3A_34, %get3A_35] : memref<512x128xf32, #tpu.memory_space<vmem>>, vector<512x128xf32>
    %mul3A_37 = vector.broadcast %rsqrt3A : vector<512x1xf32> to vector<512x128xf32>
    %mul3A_38 = arith.mulf %get3A_36, %mul3A_37 : vector<512x128xf32>
    %swap3A_39 = arith.constant 0 : index
    %swap3A_40 = arith.constant 0 : index
    %swap3A_41 = vector.load %arg4[%swap3A_39, %swap3A_40] : memref<512x128xf32, #tpu.memory_space<vmem>>, vector<512x128xf32>
    tpu.vector_store %arg4[%swap3A_39, %swap3A_40], %mul3A_38 {strides = array<i32>} : memref<512x128xf32, #tpu.memory_space<vmem>>, vector<512x128xf32>,
    return
  }
  func.func @transform_0(%arg0: i32) -> (i32, i32, i32) {
    %c0_i32 = arith.constant 0 : i32
    %c0_i32_0 = arith.constant 0 : i32
    %c0_i32_1 = arith.constant 0 : i32
    return %c0_i32, %arg0, %c0_i32_0 : i32, i32, i32
  }
  func.func @transform_1(%arg0: i32) -> (i32, i32, i32) {
    %c0_i32 = arith.constant 0 : i32
    %c0_i32_0 = arith.constant 0 : i32
    %c0_i32_1 = arith.constant 0 : i32
    return %c0_i32, %arg0, %c0_i32_0 : i32, i32, i32
  }
  func.func @transform_2(%arg0: i32) -> (i32, i32) {
    %c0_i32 = arith.constant 0 : i32
    %c0_i32_0 = arith.constant 0 : i32
    return %arg0, %c0_i32 : i32, i32
  }
  func.func @transform_3(%arg0: i32) -> (i32, i32) {
    %c0_i32 = arith.constant 0 : i32
    %c0_i32_0 = arith.constant 0 : i32
    return %arg0, %c0_i32 : i32, i32
  }
  func.func @transform_4(%arg0: i32) -> (i32, i32) {
    %c0_i32 = arith.constant 0 : i32
    %c0_i32_0 = arith.constant 0 : i32
    return %arg0, %c0_i32 : i32, i32
  }
  func.func @transform_5(%arg0: i32) -> (i32, i32) {
    %c0_i32 = arith.constant 0 : i32
    %c0_i32_0 = arith.constant 0 : i32
    return %arg0, %c0_i32 : i32, i32
  }
}

module attributes {stable_mosaic.version = 14 : i64} {
  func.func @_dense_body(%arg0: i32, %arg1: memref<2x512x128xf32, #tpu.memory_space<vmem>>, %arg2: memref<512x1xf32, #tpu.memory_space<vmem>>, %arg3: memref<512x1xf32, #tpu.memory_space<vmem>>, %arg4: memref<128x128xf32, #tpu.memory_space<vmem>>, %arg5: memref<1x128xf32, #tpu.memory_space<vmem>>, %arg6: memref<512x128xf32, #tpu.memory_space<vmem>>) attributes {dimension_semantics = [#tpu.dimension_semantics<arbitrary>], iteration_bounds = array<i64: 20>, scalar_prefetch = 0 : i64, scratch_operands = 0 : i64, tpu.core_type = #tpu.core_type<tc>, window_params = [{transform_indices = @transform_0, window_bounds = array<i64: 2, 512, 128>}, {transform_indices = @transform_1, window_bounds = array<i64: 512, 1>}, {transform_indices = @transform_2, window_bounds = array<i64: 512, 1>}, {pipeline_mode = #tpu.pipeline_mode<synchronous>, transform_indices = @transform_3, window_bounds = array<i64: 128, 128>}, {pipeline_mode = #tpu.pipeline_mode<synchronous>, transform_indices = @transform_4, window_bounds = array<i64: 1, 128>}, {transform_indices = @transform_5, window_bounds = array<i64: 512, 128>}]} {
    %get3A = arith.constant 0 : index
    %get3A_0 = arith.constant 0 : index
    %get3A_1 = arith.constant 0 : index
    %get3A_2 = vector.load %arg1[%get3A, %get3A_0, %get3A_1] : memref<2x512x128xf32, #tpu.memory_space<vmem>>, vector<2x512x128xf32>
    %slice3A = vector.extract_strided_slice %get3A_2 {offsets = [0, 0, 0], sizes = [1, 512, 128], strides = [1, 1, 1]} : vector<2x512x128xf32> to vector<1x512x128xf32>
    %squeeze3A = vector.shape_cast %slice3A : vector<1x512x128xf32> to vector<512x128xf32>
    %slice3A_3 = vector.extract_strided_slice %get3A_2 {offsets = [1, 0, 0], sizes = [1, 512, 128], strides = [1, 1, 1]} : vector<2x512x128xf32> to vector<1x512x128xf32>
    %squeeze3A_4 = vector.shape_cast %slice3A_3 : vector<1x512x128xf32> to vector<512x128xf32>
    %add3A = arith.addf %squeeze3A, %squeeze3A_4 : vector<512x128xf32>
    %get3A_5 = arith.constant 0 : index
    %get3A_6 = arith.constant 0 : index
    %get3A_7 = vector.load %arg4[%get3A_5, %get3A_6] : memref<128x128xf32, #tpu.memory_space<vmem>>, vector<128x128xf32>
    %dot_general3A = arith.constant dense<0.000000e+00> : vector<512x128xf32>
    %dot_general3A_8 = tpu.matmul %add3A, %get3A_7, %dot_general3A {dimension_numbers = #tpu.dot_dimension_numbers<[1], [0], [0], [1], [0, 0, 1, 1], [], []>, transpose_lhs_hint = false} : vector<512x128xf32>, vector<128x128xf32>, vector<512x128xf32> -> vector<512x128xf32>
    %get3A_9 = arith.constant 0 : index
    %get3A_10 = arith.constant 0 : index
    %get3A_11 = vector.load %arg2[%get3A_9, %get3A_10] : memref<512x1xf32, #tpu.memory_space<vmem>>, vector<512x1xf32>
    %mul3A = vector.broadcast %get3A_11 : vector<512x1xf32> to vector<512x128xf32>
    %mul3A_12 = arith.mulf %dot_general3A_8, %mul3A : vector<512x128xf32>
    %get3A_13 = arith.constant 0 : index
    %get3A_14 = arith.constant 0 : index
    %get3A_15 = vector.load %arg5[%get3A_13, %get3A_14] : memref<1x128xf32, #tpu.memory_space<vmem>>, vector<1x128xf32>
    %add3A_16 = vector.broadcast %get3A_15 : vector<1x128xf32> to vector<512x128xf32>
    %add3A_17 = arith.addf %mul3A_12, %add3A_16 : vector<512x128xf32>
    %max3A = arith.constant 0.000000e+00 : f32
    %max3A_18 = vector.broadcast %max3A : f32 to vector<512x128xf32>
    %max3A_19 = arith.maximumf %add3A_17, %max3A_18 : vector<512x128xf32>
    %mul3A_20 = arith.constant 512 : i32
    %mul3A_21 = arith.muli %arg0, %mul3A_20 : i32
    %iota3A = tpu.iota {dimensions = array<i32: 0>} : vector<512x1xi32>
    %add3A_22 = vector.broadcast %mul3A_21 : i32 to vector<512x1xi32>
    %add3A_23 = arith.addi %add3A_22, %iota3A : vector<512x1xi32>
    %lt3A = arith.constant 10000 : i32
    %lt3A_24 = vector.broadcast %lt3A : i32 to vector<512x1xi32>
    %lt3A_25 = arith.cmpi slt, %add3A_23, %lt3A_24 : vector<512x1xi32>
    %jit3A = arith.constant 0.000000e+00 : f32
    %broadcast_in_dim3A = vector.shape_cast %lt3A_25 : vector<512x1xi1> to vector<512x1xi1>
    %broadcast_in_dim3A_26 = vector.broadcast %broadcast_in_dim3A : vector<512x1xi1> to vector<512x128xi1>
    %broadcast_in_dim3A_27 = vector.broadcast %jit3A : f32 to vector<512x128xf32>
    %select_n3A = arith.select %broadcast_in_dim3A_26, %max3A_19, %broadcast_in_dim3A_27 : vector<512x128xi1>, vector<512x128xf32>
    %get3A_28 = arith.constant 0 : index
    %get3A_29 = arith.constant 0 : index
    %get3A_30 = vector.load %arg3[%get3A_28, %get3A_29] : memref<512x1xf32, #tpu.memory_space<vmem>>, vector<512x1xf32>
    %mul3A_31 = vector.broadcast %get3A_30 : vector<512x1xf32> to vector<512x128xf32>
    %mul3A_32 = arith.mulf %select_n3A, %mul3A_31 : vector<512x128xf32>
    %swap3A = arith.constant 0 : index
    %swap3A_33 = arith.constant 0 : index
    %swap3A_34 = vector.load %arg6[%swap3A, %swap3A_33] : memref<512x128xf32, #tpu.memory_space<vmem>>, vector<512x128xf32>
    tpu.vector_store %arg6[%swap3A, %swap3A_33], %mul3A_32 {strides = array<i32>} : memref<512x128xf32, #tpu.memory_space<vmem>>, vector<512x128xf32>,
    return
  }
  func.func @transform_0(%arg0: i32) -> (i32, i32, i32) {
    %c0_i32 = arith.constant 0 : i32
    %c0_i32_0 = arith.constant 0 : i32
    %c0_i32_1 = arith.constant 0 : i32
    return %c0_i32, %arg0, %c0_i32_0 : i32, i32, i32
  }
  func.func @transform_1(%arg0: i32) -> (i32, i32) {
    %c0_i32 = arith.constant 0 : i32
    %c0_i32_0 = arith.constant 0 : i32
    return %arg0, %c0_i32 : i32, i32
  }
  func.func @transform_2(%arg0: i32) -> (i32, i32) {
    %c0_i32 = arith.constant 0 : i32
    %c0_i32_0 = arith.constant 0 : i32
    return %arg0, %c0_i32 : i32, i32
  }
  func.func @transform_3(%arg0: i32) -> (i32, i32) {
    %c0_i32 = arith.constant 0 : i32
    %c0_i32_0 = arith.constant 0 : i32
    %c0_i32_1 = arith.constant 0 : i32
    return %c0_i32, %c0_i32_0 : i32, i32
  }
  func.func @transform_4(%arg0: i32) -> (i32, i32) {
    %c0_i32 = arith.constant 0 : i32
    %c0_i32_0 = arith.constant 0 : i32
    %c0_i32_1 = arith.constant 0 : i32
    return %c0_i32, %c0_i32_0 : i32, i32
  }
  func.func @transform_5(%arg0: i32) -> (i32, i32) {
    %c0_i32 = arith.constant 0 : i32
    %c0_i32_0 = arith.constant 0 : i32
    return %arg0, %c0_i32 : i32, i32
  }
}

module attributes {stable_mosaic.version = 14 : i64} {
  func.func @_final_body(%arg0: i32, %arg1: memref<2x512x128xf32, #tpu.memory_space<vmem>>, %arg2: memref<512x1xf32, #tpu.memory_space<vmem>>, %arg3: memref<128x128xf32, #tpu.memory_space<vmem>>, %arg4: memref<1x128xf32, #tpu.memory_space<vmem>>, %arg5: memref<128x16xf32, #tpu.memory_space<vmem>>, %arg6: memref<1x16xf32, #tpu.memory_space<vmem>>, %arg7: memref<1x16xf32, #tpu.memory_space<vmem>>, %arg8: memref<1x128xf32, #tpu.memory_space<vmem>>) attributes {dimension_semantics = [#tpu.dimension_semantics<arbitrary>], iteration_bounds = array<i64: 20>, scalar_prefetch = 0 : i64, scratch_operands = 0 : i64, tpu.core_type = #tpu.core_type<tc>, window_params = [{transform_indices = @transform_0, window_bounds = array<i64: 2, 512, 128>}, {transform_indices = @transform_1, window_bounds = array<i64: 512, 1>}, {pipeline_mode = #tpu.pipeline_mode<synchronous>, transform_indices = @transform_2, window_bounds = array<i64: 128, 128>}, {pipeline_mode = #tpu.pipeline_mode<synchronous>, transform_indices = @transform_3, window_bounds = array<i64: 1, 128>}, {pipeline_mode = #tpu.pipeline_mode<synchronous>, transform_indices = @transform_4, window_bounds = array<i64: 128, 16>}, {pipeline_mode = #tpu.pipeline_mode<synchronous>, transform_indices = @transform_5, window_bounds = array<i64: 1, 16>}, {pipeline_mode = #tpu.pipeline_mode<synchronous>, transform_indices = @transform_6, window_bounds = array<i64: 1, 16>}, {pipeline_mode = #tpu.pipeline_mode<synchronous>, transform_indices = @transform_7, window_bounds = array<i64: 1, 128>}]} {
    %get3A = arith.constant 0 : index
    %get3A_0 = arith.constant 0 : index
    %get3A_1 = arith.constant 0 : index
    %get3A_2 = vector.load %arg1[%get3A, %get3A_0, %get3A_1] : memref<2x512x128xf32, #tpu.memory_space<vmem>>, vector<2x512x128xf32>
    %slice3A = vector.extract_strided_slice %get3A_2 {offsets = [0, 0, 0], sizes = [1, 512, 128], strides = [1, 1, 1]} : vector<2x512x128xf32> to vector<1x512x128xf32>
    %squeeze3A = vector.shape_cast %slice3A : vector<1x512x128xf32> to vector<512x128xf32>
    %slice3A_3 = vector.extract_strided_slice %get3A_2 {offsets = [1, 0, 0], sizes = [1, 512, 128], strides = [1, 1, 1]} : vector<2x512x128xf32> to vector<1x512x128xf32>
    %squeeze3A_4 = vector.shape_cast %slice3A_3 : vector<1x512x128xf32> to vector<512x128xf32>
    %add3A = arith.addf %squeeze3A, %squeeze3A_4 : vector<512x128xf32>
    %get3A_5 = arith.constant 0 : index
    %get3A_6 = arith.constant 0 : index
    %get3A_7 = vector.load %arg3[%get3A_5, %get3A_6] : memref<128x128xf32, #tpu.memory_space<vmem>>, vector<128x128xf32>
    %dot_general3A = arith.constant dense<0.000000e+00> : vector<512x128xf32>
    %dot_general3A_8 = tpu.matmul %add3A, %get3A_7, %dot_general3A {dimension_numbers = #tpu.dot_dimension_numbers<[1], [0], [0], [1], [0, 0, 1, 1], [], []>, transpose_lhs_hint = false} : vector<512x128xf32>, vector<128x128xf32>, vector<512x128xf32> -> vector<512x128xf32>
    %get3A_9 = arith.constant 0 : index
    %get3A_10 = arith.constant 0 : index
    %get3A_11 = vector.load %arg2[%get3A_9, %get3A_10] : memref<512x1xf32, #tpu.memory_space<vmem>>, vector<512x1xf32>
    %mul3A = vector.broadcast %get3A_11 : vector<512x1xf32> to vector<512x128xf32>
    %mul3A_12 = arith.mulf %dot_general3A_8, %mul3A : vector<512x128xf32>
    %get3A_13 = arith.constant 0 : index
    %get3A_14 = arith.constant 0 : index
    %get3A_15 = vector.load %arg4[%get3A_13, %get3A_14] : memref<1x128xf32, #tpu.memory_space<vmem>>, vector<1x128xf32>
    %add3A_16 = vector.broadcast %get3A_15 : vector<1x128xf32> to vector<512x128xf32>
    %add3A_17 = arith.addf %mul3A_12, %add3A_16 : vector<512x128xf32>
    %max3A = arith.constant 0.000000e+00 : f32
    %max3A_18 = vector.broadcast %max3A : f32 to vector<512x128xf32>
    %max3A_19 = arith.maximumf %add3A_17, %max3A_18 : vector<512x128xf32>
    %mul3A_20 = arith.constant 512 : i32
    %mul3A_21 = arith.muli %arg0, %mul3A_20 : i32
    %iota3A = tpu.iota {dimensions = array<i32: 0>} : vector<512x1xi32>
    %add3A_22 = vector.broadcast %mul3A_21 : i32 to vector<512x1xi32>
    %add3A_23 = arith.addi %add3A_22, %iota3A : vector<512x1xi32>
    %lt3A = arith.constant 10000 : i32
    %lt3A_24 = vector.broadcast %lt3A : i32 to vector<512x1xi32>
    %lt3A_25 = arith.cmpi slt, %add3A_23, %lt3A_24 : vector<512x1xi32>
    %jit3A = arith.constant 0.000000e+00 : f32
    %broadcast_in_dim3A = vector.shape_cast %lt3A_25 : vector<512x1xi1> to vector<512x1xi1>
    %broadcast_in_dim3A_26 = vector.broadcast %broadcast_in_dim3A : vector<512x1xi1> to vector<512x128xi1>
    %broadcast_in_dim3A_27 = vector.broadcast %jit3A : f32 to vector<512x128xf32>
    %select_n3A = arith.select %broadcast_in_dim3A_26, %max3A_19, %broadcast_in_dim3A_27 : vector<512x128xi1>, vector<512x128xf32>
    %reduce_sum3A = arith.constant dense<0.000000e+00> : vector<128xf32>
    %reduce_sum3A_28 = vector.multi_reduction <add>, %select_n3A, %reduce_sum3A [0] : vector<512x128xf32> to vector<128xf32>
    %broadcast_in_dim3A_29 = vector.shape_cast %reduce_sum3A_28 : vector<128xf32> to vector<1x128xf32>
    %eq3A = arith.constant 0 : i32
    %eq3A_30 = arith.cmpi eq, %arg0, %eq3A : i32
    %convert_element_type3A = arith.extui %eq3A_30 : i1 to i32
    %cond3A = arith.constant 0 : i32
    %cond3A_31 = arith.cmpi ne, %convert_element_type3A, %cond3A : i32
    scf.if %cond3A_31 {
      %broadcast_in_dim3A_43 = arith.constant 0.000000e+00 : f32
      %broadcast_in_dim3A_44 = vector.broadcast %broadcast_in_dim3A_43 : f32 to vector<1x128xf32>
      %swap3A_45 = arith.constant 0 : index
      %swap3A_46 = arith.constant 0 : index
      %swap3A_47 = vector.load %arg8[%swap3A_45, %swap3A_46] : memref<1x128xf32, #tpu.memory_space<vmem>>, vector<1x128xf32>
      tpu.vector_store %arg8[%swap3A_45, %swap3A_46], %broadcast_in_dim3A_44 {strides = array<i32>} : memref<1x128xf32, #tpu.memory_space<vmem>>, vector<1x128xf32>,
    } else {
    }
    %get3A_32 = arith.constant 0 : index
    %get3A_33 = arith.constant 0 : index
    %get3A_34 = vector.load %arg8[%get3A_32, %get3A_33] : memref<1x128xf32, #tpu.memory_space<vmem>>, vector<1x128xf32>
    %add3A_35 = arith.addf %get3A_34, %broadcast_in_dim3A_29 : vector<1x128xf32>
    %swap3A = arith.constant 0 : index
    %swap3A_36 = arith.constant 0 : index
    %swap3A_37 = vector.load %arg8[%swap3A, %swap3A_36] : memref<1x128xf32, #tpu.memory_space<vmem>>, vector<1x128xf32>
    tpu.vector_store %arg8[%swap3A, %swap3A_36], %add3A_35 {strides = array<i32>} : memref<1x128xf32, #tpu.memory_space<vmem>>, vector<1x128xf32>,
    %eq3A_38 = arith.constant 19 : i32
    %eq3A_39 = arith.cmpi eq, %arg0, %eq3A_38 : i32
    %convert_element_type3A_40 = arith.extui %eq3A_39 : i1 to i32
    %cond3A_41 = arith.constant 0 : i32
    %cond3A_42 = arith.cmpi ne, %convert_element_type3A_40, %cond3A_41 : i32
    scf.if %cond3A_42 {
      %get3A_43 = arith.constant 0 : index
      %get3A_44 = arith.constant 0 : index
      %get3A_45 = vector.load %arg8[%get3A_43, %get3A_44] : memref<1x128xf32, #tpu.memory_space<vmem>>, vector<1x128xf32>
      %mul3A_46 = arith.constant 9.99999974E-5 : f32
      %mul3A_47 = vector.broadcast %mul3A_46 : f32 to vector<1x128xf32>
      %mul3A_48 = arith.mulf %get3A_45, %mul3A_47 : vector<1x128xf32>
      %swap3A_49 = arith.constant 0 : index
      %swap3A_50 = arith.constant 0 : index
      %swap3A_51 = vector.load %arg8[%swap3A_49, %swap3A_50] : memref<1x128xf32, #tpu.memory_space<vmem>>, vector<1x128xf32>
      tpu.vector_store %arg8[%swap3A_49, %swap3A_50], %mul3A_48 {strides = array<i32>} : memref<1x128xf32, #tpu.memory_space<vmem>>, vector<1x128xf32>,
      %get3A_52 = arith.constant 0 : index
      %get3A_53 = arith.constant 0 : index
      %get3A_54 = vector.load %arg5[%get3A_52, %get3A_53] : memref<128x16xf32, #tpu.memory_space<vmem>>, vector<128x16xf32>
      %dot_general3A_55 = arith.constant dense<0.000000e+00> : vector<1x16xf32>
      %dot_general3A_56 = tpu.matmul %mul3A_48, %get3A_54, %dot_general3A_55 {dimension_numbers = #tpu.dot_dimension_numbers<[1], [0], [0], [1], [0, 0, 1, 1], [], []>, transpose_lhs_hint = false} : vector<1x128xf32>, vector<128x16xf32>, vector<1x16xf32> -> vector<1x16xf32>
      %get3A_57 = arith.constant 0 : index
      %get3A_58 = arith.constant 0 : index
      %get3A_59 = vector.load %arg6[%get3A_57, %get3A_58] : memref<1x16xf32, #tpu.memory_space<vmem>>, vector<1x16xf32>
      %add3A_60 = arith.addf %dot_general3A_56, %get3A_59 : vector<1x16xf32>
      %swap3A_61 = arith.constant 0 : index
      %swap3A_62 = arith.constant 0 : index
      %swap3A_63 = vector.load %arg7[%swap3A_61, %swap3A_62] : memref<1x16xf32, #tpu.memory_space<vmem>>, vector<1x16xf32>
      tpu.vector_store %arg7[%swap3A_61, %swap3A_62], %add3A_60 {strides = array<i32>} : memref<1x16xf32, #tpu.memory_space<vmem>>, vector<1x16xf32>,
    } else {
    }
    return
  }
  func.func @transform_0(%arg0: i32) -> (i32, i32, i32) {
    %c0_i32 = arith.constant 0 : i32
    %c0_i32_0 = arith.constant 0 : i32
    %c0_i32_1 = arith.constant 0 : i32
    return %c0_i32, %arg0, %c0_i32_0 : i32, i32, i32
  }
  func.func @transform_1(%arg0: i32) -> (i32, i32) {
    %c0_i32 = arith.constant 0 : i32
    %c0_i32_0 = arith.constant 0 : i32
    return %arg0, %c0_i32 : i32, i32
  }
  func.func @transform_2(%arg0: i32) -> (i32, i32) {
    %c0_i32 = arith.constant 0 : i32
    %c0_i32_0 = arith.constant 0 : i32
    %c0_i32_1 = arith.constant 0 : i32
    return %c0_i32, %c0_i32_0 : i32, i32
  }
  func.func @transform_3(%arg0: i32) -> (i32, i32) {
    %c0_i32 = arith.constant 0 : i32
    %c0_i32_0 = arith.constant 0 : i32
    %c0_i32_1 = arith.constant 0 : i32
    return %c0_i32, %c0_i32_0 : i32, i32
  }
  func.func @transform_4(%arg0: i32) -> (i32, i32) {
    %c0_i32 = arith.constant 0 : i32
    %c0_i32_0 = arith.constant 0 : i32
    %c0_i32_1 = arith.constant 0 : i32
    return %c0_i32, %c0_i32_0 : i32, i32
  }
  func.func @transform_5(%arg0: i32) -> (i32, i32) {
    %c0_i32 = arith.constant 0 : i32
    %c0_i32_0 = arith.constant 0 : i32
    %c0_i32_1 = arith.constant 0 : i32
    return %c0_i32, %c0_i32_0 : i32, i32
  }
  func.func @transform_6(%arg0: i32) -> (i32, i32) {
    %c0_i32 = arith.constant 0 : i32
    %c0_i32_0 = arith.constant 0 : i32
    %c0_i32_1 = arith.constant 0 : i32
    return %c0_i32, %c0_i32_0 : i32, i32
  }
  func.func @transform_7(%arg0: i32) -> (i32, i32) {
    %c0_i32 = arith.constant 0 : i32
    %c0_i32_0 = arith.constant 0 : i32
    %c0_i32_1 = arith.constant 0 : i32
    return %c0_i32, %c0_i32_0 : i32, i32
  }
}

</mosaic_0001>

<sc_bundles>
// kernel: kernel.12.cloned.1.call-start
scs
__scs_entry_jumppad:
0x0: {  	(pc) =	sbr.rel $0x88, $3  }
0x1: {  	(tag) =	ssettag $0x0;
	lr =	simm.s32 $0x1  }
0x2: {  	[smem:$0x3F95] =	sst lr;
	_ =	strace $0xD0000000  }
0x3: {  	_ = 	snop  }
0x4: {  	_ = 	snop  }
0x5: {  	_ = 	snop  }
0x6: {  	_ = 	snop  }
0x7: {  	_ = 	snop  }
__scs_overlays_trampoline_lowered:
0x8: {  	[smem:$0x3FA4] =	sst s0  }
0x9: {  	[smem:$0x3FA5] =	sst s1  }
0xa: {  	[smem:$0x3FA6] =	sst s2  }
0xb: {  	[smem:$0x3FA7] =	sst s3  }
0xc: {  	[smem:$0x3FA8] =	sst s4  }
0xd: {  	[smem:$0x3FA9] =	sst s5  }
0xe: {  	[smem:$0x3FAA] =	sst s6  }
0xf: {  	[smem:$0x3FAB] =	sst s7  }
0x10: {  	[smem:$0x3FAC] =	sst s8  }
0x11: {  	[smem:$0x3FAD] =	sst s9;
	s0 =	simm.s32 @!p0 $0x0  }
0x12: {  	s1 =	sld [smem:$0x3F93];
	s0 =	simm.s32 @p0 $0x1  }
0x13: {  	[smem:$0x3FAE] =	sst s0;
	s0 =	simm.s32 @!p1 $0x0  }
0x14: {  	s2 =	sld [smem:$0x3F92];
	s0 =	simm.s32 @p1 $0x1  }
0x15: {  	[smem:$0x3FAF] =	sst s0;
	s0 =	simm.s32 @!p2 $0x0  }
0x16: {  	s3 =	sld [smem:$0x3FDB];
	s0 =	simm.s32 @p2 $0x1  }
0x17: {  	s4 =	simm.s32 $0x1BF5;
	[smem:$0x3FB1] =	sst s0  }
0x18: {  	s0 =	sld [smem:$0x3F94];
	_ =	swait.ge [sflag:s4], $0x0  }
0x19: {  	s7 =	sld [smem:$0x3F95]  }
0x1a: {  	s8 =	sadd.s32 $0xFFFFE003, lr  }
0x1b: {  	s9 =	sadd.s32 $0xFFFFFEF7, lr;
	s5 =	simm.s32 $0xFFFFFFFF;
	p2 =	slt.u32 s8, $0xFFFFF086  }
0x1c: {  	p1 =	slt.u32 s9, $0xF7A;
	s5 =	simm.s32 @!p2 $0x0  }
0x1d: {  	s5 =	simm.s32 @p1 $0x1;
	p0 =	seq.s32 s7, s2  }
0x1e: {  	s7 =	smul.u32 @!p0 $0xF7A, s2;
	p2 =	seq.s32 @!p0 s5, $0x0  }
0x1f: {  	s9 =	smul.u32 $0xF7A, s1;
	s8 =	simm.s32 @!p0 $0x1BF5;
	p2 =	por !p2, p0  }
0x20: {  	[sflag:s8] =	ssyncset.s32 @!p0 $0xFFFFF086;
	s6 =	sadd.s32 @!p0 s3, s7;
	s7 =	simm.s32 @!p0 $0x108  }
0x21: {  	s3 =	sadd.s32 s3, s9;
	s6 =	sadd.s32 @!p0 $0x88, s6;
	s7 =	simm.s32 @p2 $0x1082  }
0x22: {  	[simem:s7], [sflag:s8] =	dma.local @!p0 [hbm:s6], $0xF7A  }
0x23: {  	s9 =	sor.u32 $0xD0000000, s2;
	s6 =	simm.s32 $0x108;
	_ =	swait.ge @!p0 [sflag:s8], $0x0  }
0x24: {  	s3 =	sadd.s32 $0x88, s3;
	s6 =	simm.s32 @!p1 $0x1082;
	[sflag:s4] =	ssyncset.s32 $0xFFFFF086  }
0x25: {  	[simem:s6], [sflag:s4] =	dma.local [hbm:s3], $0xF7A  }
0x26: {  	[smem:$0x3F95] =	sst s1;
	(tag) =	ssettag s2;
	_ =	strace s9  }
0x27: {  	s1 =	sld [smem:$0x3FA5]  }
0x28: {  	s2 =	sld [smem:$0x3FA6]  }
0x29: {  	s4 =	sld [smem:$0x3FA8]  }
0x2a: {  	p0 =	seq.s32 s5, $0x0;
	s5 =	sld [smem:$0x3FA9]  }
0x2b: {  	s6 =	sld [smem:$0x3FAA]  }
0x2c: {  	s7 =	sld [smem:$0x3FAB]  }
0x2d: {  	s3 =	simm.s32 $0x108;
	s8 =	sld [smem:$0x3FAC]  }
0x2e: {  	s3 =	simm.s32 @!p0 $0x1082;
	s9 =	sld [smem:$0x3FAD]  }
0x2f: {  	lr =	sadd.s32 s0, s3;
	s0 =	sld [smem:$0x3FA4]  }
0x30: {  	s3 =	sld [smem:$0x3FA7]  }
0x31: {  	[smem:$0x3FB0] =	sst s10  }
0x32: {  	s10 =	sld [smem:$0x3FAE];
	_ =	sdelay $0x3  }
0x33: {  	p0 =	seq.s32 s10, $0x1;
	s10 =	sld [smem:$0x3FB0];
	_ =	sdelay $0x3  }
0x34: {  	[smem:$0x3FB0] =	sst s10  }
0x35: {  	s10 =	sld [smem:$0x3FAF];
	_ =	sdelay $0x3  }
0x36: {  	p1 =	seq.s32 s10, $0x1;
	s10 =	sld [smem:$0x3FB0];
	_ =	sdelay $0x3  }
0x37: {  	[smem:$0x3FB0] =	sst s10  }
0x38: {  	s10 =	sld [smem:$0x3FB1]  }
0x39: {  	_ = 	snop;
	(pc) =	sbr.ind lr, $3  }
0x3a: {  	_ = 	snop  }
0x3b: {  	_ = 	snop  }
0x3c: {  	p2 =	seq.s32 s10, $0x1;
	s10 =	sld [smem:$0x3FB0]  }
0x3d: {  	_ =	shalt  }
0x3e: {  	_ =	shalt  }
0x3f: {  	_ =	shalt  }
0x40: {  	_ =	shalt  }
0x41: {  	_ =	shalt  }
0x42: {  	_ =	shalt  }
0x43: {  	_ =	shalt  }
0x44: {  	_ =	shalt  }
0x45: {  	_ =	shalt  }
0x46: {  	_ =	shalt  }
0x47: {  	_ =	shalt  }
0x48: {  	_ =	shalt  }
0x49: {  	_ =	shalt  }
0x4a: {  	_ =	shalt  }
0x4b: {  	_ =	shalt  }
0x4c: {  	_ =	shalt  }
0x4d: {  	_ =	shalt  }
0x4e: {  	_ =	shalt  }
0x4f: {  	_ =	shalt  }
0x50: {  	_ =	shalt  }
0x51: {  	_ =	shalt  }
0x52: {  	_ =	shalt  }
0x53: {  	_ =	shalt  }
0x54: {  	_ =	shalt  }
0x55: {  	_ =	shalt  }
0x56: {  	_ =	shalt  }
0x57: {  	_ =	shalt  }
0x58: {  	_ =	shalt  }
0x59: {  	_ =	shalt  }
0x5a: {  	_ =	shalt  }
0x5b: {  	_ =	shalt  }
0x5c: {  	_ =	shalt  }
0x5d: {  	_ =	shalt  }
0x5e: {  	_ =	shalt  }
0x5f: {  	_ =	shalt  }
0x60: {  	_ =	shalt  }
0x61: {  	_ =	shalt  }
0x62: {  	_ =	shalt  }
0x63: {  	_ =	shalt  }
0x64: {  	_ =	shalt  }
0x65: {  	_ =	shalt  }
0x66: {  	_ =	shalt  }
0x67: {  	_ =	shalt  }
0x68: {  	_ =	shalt  }
0x69: {  	_ =	shalt  }
0x6a: {  	_ =	shalt  }
0x6b: {  	_ =	shalt  }
0x6c: {  	_ =	shalt  }
0x6d: {  	_ =	shalt  }
0x6e: {  	_ =	shalt  }
0x6f: {  	_ =	shalt  }
0x70: {  	_ =	shalt  }
0x71: {  	_ =	shalt  }
0x72: {  	_ =	shalt  }
0x73: {  	_ =	shalt  }
0x74: {  	_ =	shalt  }
0x75: {  	_ =	shalt  }
0x76: {  	_ =	shalt  }
0x77: {  	_ =	shalt  }
0x78: {  	_ =	shalt  }
0x79: {  	_ =	shalt  }
0x7a: {  	_ =	shalt  }
0x7b: {  	_ =	shalt  }
0x7c: {  	_ =	shalt  }
0x7d: {  	_ =	shalt  }
0x7e: {  	_ =	shalt  }
0x7f: {  	_ =	shalt  }
0x80: {  	_ =	shalt  }
0x81: {  	_ =	shalt  }
0x82: {  	_ =	shalt  }
0x83: {  	_ =	shalt  }
0x84: {  	_ =	shalt  }
0x85: {  	_ =	shalt  }
0x86: {  	_ =	shalt  }
0x87: {  	_ =	shalt  }
.Lfunc_end0:
.L_simem_size_0:
called_computation_lowered:
.L_overlay_start_0:
0x88: {  	s2 =	sld [smem:$0x3FD9]  }
0x89: {  	s3 =	sld [smem:$0x3FFE];
	_ =	sdelay $0x1  }
0x8a: {  	s1 =	srdreg.scid  }
0x8b: {  	s0 =	sand.u32 $0x1, s1  }
0x8c: {  	s16 =	sshll.u32 s0, $0xA;
	s2 =	sadd.s32 s3, s2  }
0x8d: {  	s2 =	sadd.s32 s2, s16  }
0x8e: {  	[smem:$0x3FBC] =	sst s2  }
0x8f: {  	_ = 	snop  }
0x90: {  	(tm) =	ssettm $0x1  }
0x91: {  	s17 =	sld [smem:$0x3FFB];
	_ =	sdelay $0x3  }
0x92: {  	_ =	strace s17  }
0x93: {  	s2 =	sld [smem:$0x3FFC];
	_ =	sdelay $0x3  }
0x94: {  	_ =	strace s2  }
0x95: {  	s2 =	sld [smem:$0x3FFD];
	_ =	sdelay $0x3  }
0x96: {  	_ =	strace s2  }
0x97: {  	_ =	strace $0x8FFFFFFF  }
0x98: {  	s18 =	sld [smem:$0x3FDB];
	_ =	sdelay $0x1  }
0x99: {  	s19 =	simm.s32 $_scs_section_size  }
0x9a: {  	s4 =	simm.s32 $_size__tile_overlayer_lowered;
	s5 =	simm.s32 $_tile_overlayer_lowered  }
0x9b: {  	s22 =	simm.s32 $0x1BFF;
	s21 =	sshll.u32 s5, $0x1;
	s2 =	sadd.s32 s19, s18  }
0x9c: {  	s6 =	simm.s32 $0x0;
	s20 =	sshll.u32 s4, $0x1;
	s4 =	sadd.s32 s21, s2  }
0x9d: {  	[timem:s6], [sflag:s22] =	dma.local [hbm:s4], s20  }
0x9e: {  	_ =	swait.ge [sflag:s22], s20  }
0x9f: {  	s3 =	ssub.s32 $0x0, s20;
	[sflag:s22] =	ssyncset.done $0x0  }
0xa0: {  	[sflag:s22] =	ssyncadd.s32 s3;
	_ =	sdelay $0x1  }
0xa1: {  	s23 =	simm.s32 $0x1B8B  }
0xa2: {  	_ =	swait.ge [sflag:s23], $0x1  }
0xa3: {  	[sflag:s23] =	ssyncset.done $0x0  }
0xa4: {  	s25 =	simm.s32 $0x1B8E;
	s24 =	sld [smem:$0x3FFE];
	[sflag:s23] =	ssyncadd.s32 $0xFFFFFFFF  }
0xa5: {  	s26 =	simm.s32 $execute0_lowered;
	[smem:$0x3FD2] =	sst s25  }
0xa6: {  	s4 =	sshll.u32 s26, $0x1;
	_ =	strace $0x80000046;
	[dreg:$0x1] =	wrdreg $0xFFFFFFFF  }
0xa7: {  	s28 =	simm.s32 $_size_execute0_lowered;
	s2 =	sadd.s32 s2, s4;
	[dreg:$0x0] =	wrdreg $0x0  }
0xa8: {  	s4 =	sshll.u32 s28, $0x1;
	[dreg:$0x2] =	wrdreg s2  }
0xa9: {  	[dreg:$0x3] =	wrdreg s4  }
0xaa: {  	[dreg:$0x4] =	wrdreg $0xC0  }
0xab: {  	_ =	task [dreg:s6], $0x5FFFF  }
0xac: {  	[dreg:$0x1] =	wrdreg $0xFFFFFFFF  }
0xad: {  	[dreg:$0x0] =	wrdreg $0x60  }
0xae: {  	[dreg:$0x2] =	wrdreg s24  }
0xaf: {  	[dreg:$0x3] =	wrdreg $0x0  }
0xb0: {  	[dreg:$0x4] =	wrdreg $0x9  }
0xb1: {  	_ =	task.clear_ibuf [dreg:s6], $0x5FFFF;
	_ =	strace $0x90000046  }
0xb2: {  	s29 =	simm.s32 $0x9;
	_ =	strace $0x80000048  }
0xb3: {  	_ =	swait.ge [sflag:s29], $0x1  }
0xb4: {  	[sflag:s29] =	ssyncadd.s32 $0xFFFFFFFF  }
0xb5: {  	_ =	strace $0x90000048  }
0xb6: {  	_ =	sfence  }
0xb7: {  	s30 =	sld [smem:$0x0];
	_ =	sdelay $0x2  }
0xb8: {  	s31 =	sshll.u32 s1, $0xD;
	s1 =	sshrl.u32 s1, $0x2  }
0xb9: {  	s3 =	sand.u32 $0x4000, s31;
	s1 =	sadd.s32 s1, s30  }
0xba: {  	s0 =	sor.u32 s3, s0;
	s1 =	sshll.u32 s1, $0x11  }
0xbb: {  	s0 =	sor.u32 s1, s0  }
0xbc: {  	s0 =	sadd.s32 $0x8F2B, s0  }
0xbd: {  	[sflag:s0] =	ssyncadd.remote.s32 $0x1  }
0xbe: {  	_ =	sfence.sel $0xFFFF  }
0xbf: {  	[dreg:$0x0] =	wrdreg $0xFFFFFFFF;
	(pc) =	sbr.abs _section_cstart, $3  }
0xc0: {  	[dreg:$0x1] =	wrdreg $0xFFFFFFFF  }
0xc1: {  	_ =	task.clear_ibuf [dreg:s6], $0x2FFFF;
	_ =	strace $0x9FFFFFFF  }
0xc2: {  	(tm) =	ssettm $0x7FFFFFFF  }
0xc3: {  	_ =	shalt  }
tec
execute0_lowered:
.L_overlay_start_1:
0x0: {  	(tag) =	ssettag $0x1  }
0x1: {  	s6 =	rddreg [dreg:$0x0]  }
0x2: {  	s0 =	srdreg.scid;
	s2 =	rddreg [dreg:$0x1]  }
0x3: {  	s1 =	rddreg [dreg:$0x2];
	s7 =	sand.u32 $0x1, s0  }
0x4: {  	s0 =	stileid.u32;
	s4 =	smul.u32 $0x27800, s7  }
0x5: {  	s3 =	simm.s32 $0x0;
	s12 =	simm.s32 $0x1;
	s5 =	smul.u32 $0x2780, s0  }
0x6: {  	s15 =	simm.s32 $0x14000;
	s16 =	simm.s32 $0x80;
	s30 =	smul.u32 $0x140000, s7  }
0x7: {  	s17 =	simm.s32 $0x0;
	[smem:$0x7FF] =	sst s3;
	s8 =	smul.u32 $0x14000, s0  }
0x8: {  	_ =	strace $0x80000047;
	s7 =	ssub.s32 $0x2, s7;
	s13 =	sshll.u32 s0, $0x6  }
0x9: {  	s9 =	smul.u32 $0x50000, s0;
	s31 =	sshrl.u32 s7, $0x1;
	s13 =	sor.u32 $0x1C01, s13  }
0xa: {  	s4 =	sadd.s32 s5, s4;
	s8 =	sadd.s32 s8, s30;
	s5 =	sadd.s32 $0x17400, s6  }
0xb: {  	s9 =	sshrl.u32 s9, $0x2;
	s11 =	ssub.s32 s7, s31;
	s4 =	sshrl.u32 s4, $0x3  }
0xc: {  	s8 =	sshrl.u32 s8, $0x3;
	s14 =	sadd.s32 s9, s2;
	s10 =	sadd.s32 s4, s6  }
0xd: {  	s4 =	sadd.s32 $0x19C00, s6;
	s8 =	sadd.s32 s8, s6;
	s14 =	sshrl.u32 s14, $0x3  }
0xe: {  	s6 =	sadd.s32 $0x1A400, s8;
	s7 =	sadd.s32 $0x6A400, s8;
	s8 =	smax.u32 s11, $0x1  }
0xf: {  	s9 =	sadd.s32 $0x3800, s10;
	s10 =	sadd.s32 $0xD600, s10;
	s11 =	simm.s32 $0x14080  }
.LBB2_1:
0x10: {  	[tilespmem:s11], [sflag:$0x1] =	stream.linear.gather [hbm4b:s4+s3], $0x4000, $0x38;
	[tilespmem:$0x18080] =	vst v63  }
0x11: {  	_ =	swait.ge [sflag:s12], $0x4000  }
0x12: {  	[sflag:s12] =	ssyncset.done $0x0  }
0x13: {  	[sflag:s12] =	ssyncadd.s32 $0xFFFFC000  }
0x14: {  	[spmem:s14], [sflag:s13] =	dma.local [hbm:s5], $0x2800  }
0x15: {  	_ =	swait.ge [sflag:s12], $0x2800  }
0x16: {  	[sflag:s12] =	ssyncset.done $0x0  }
0x17: {  	[sflag:s12] =	ssyncadd.s32 $0xFFFFD800  }
0x18: {  	s18 =	sadd.s32 $0x0, s9;
	[bflag:$0x0] =	sbarrier.arrive $0xFFFF  }
0x19: {  	[tilespmem:s15], [sflag:$0x1] =	stream.linear.gather [hbm4b:s18+s3], $0x80, $0x38;
	[tilespmem:$0x18080] =	vst v63  }
0x1a: {  	_ =	swait.ge [sflag:s12], $0x80  }
0x1b: {  	[sflag:s12] =	ssyncset.done $0x0  }
0x1c: {  	[sflag:s12] =	ssyncadd.s32 $0xFFFFFF80  }
0x1d: {  	[spmem:s2] =	stream.indirect.scatter.add.f32 [tilespmem:s11], [sflag:$0x1], $0x80, s15, s16, $0xb8;
	[tilespmem:$0x18080] =	vst v63  }
0x1e: {  	_ =	swait.ge [sflag:s12], $0x4000  }
0x1f: {  	s19 =	simm.s32 $0x20;
	s18 =	simm.s32 $0x10;
	[sflag:s12] =	ssyncset.done $0x0  }
.LBB2_2:
0x20: {  	s20 =	sadd.s32 s18, s9  }
0x21: {  	[sflag:s12] =	ssyncadd.s32 $0xFFFFC000;
	s18 =	smov.u32 s19;
	s21 =	sadd.s32 $0x10, s19  }
0x22: {  	[tilespmem:s15], [sflag:$0x1] =	stream.linear.gather [hbm4b:s20+s3], $0x80, $0x38;
	[tilespmem:$0x18080] =	vst v63  }
0x23: {  	p0 =	sne.s32 s19, $0x4E0;
	_ =	swait.ge [sflag:s12], $0x80  }
.Ltmp0:
0x24: {  	[sflag:s12] =	ssyncset.done $0x0;
	(pc) =	sbr.rel @p0 .LBB2_2-.Ltmp0, $4  }
0x25: {  	[sflag:s12] =	ssyncadd.s32 $0xFFFFFF80  }
0x26: {  	[spmem:s2] =	stream.indirect.scatter.add.f32 [tilespmem:s11], [sflag:$0x1], $0x80, s15, s16, $0xb8;
	[tilespmem:$0x18080] =	vst v63  }
0x27: {  	_ =	swait.ge [sflag:s12], $0x4000  }
0x28: {  	s19 =	smov.u32 s21;
	[sflag:s12] =	ssyncset.done $0x0  }
0x29: {  	s18 =	sadd.s32 s18, s9;
	[sflag:s12] =	ssyncadd.s32 $0xFFFFC000  }
0x2a: {  	[tilespmem:s15], [sflag:$0x1] =	stream.linear.gather [hbm4b:s18+s3], $0x80, $0x38;
	[tilespmem:$0x18080] =	vst v63  }
0x2b: {  	_ =	swait.ge [sflag:s12], $0x80  }
0x2c: {  	[sflag:s12] =	ssyncset.done $0x0  }
0x2d: {  	[sflag:s12] =	ssyncadd.s32 $0xFFFFFF80  }
0x2e: {  	[spmem:s2] =	stream.indirect.scatter.add.f32 [tilespmem:s11], [sflag:$0x1], $0x80, s15, s16, $0xb8;
	[tilespmem:$0x18080] =	vst v63  }
0x2f: {  	_ =	swait.ge [sflag:s12], $0x4000  }
0x30: {  	[sflag:s12] =	ssyncset.done $0x0  }
0x31: {  	[sflag:s12] =	ssyncadd.s32 $0xFFFFC000  }
0x32: {  	[bflag:$0x0] =	sbarrier.arrive $0xFFFF  }
0x33: {  	[hbm:s6], [sflag:s13] =	dma.local [spmem:s14], $0x2800  }
0x34: {  	_ =	swait.ge [sflag:s12], $0x2800  }
0x35: {  	[sflag:s12] =	ssyncset.done $0x0  }
0x36: {  	[sflag:s12] =	ssyncadd.s32 $0xFFFFD800  }
0x37: {  	[spmem:s14], [sflag:s13] =	dma.local [hbm:s5], $0x2800  }
0x38: {  	_ =	swait.ge [sflag:s12], $0x2800  }
0x39: {  	[sflag:s12] =	ssyncset.done $0x0  }
0x3a: {  	[sflag:s12] =	ssyncadd.s32 $0xFFFFD800  }
0x3b: {  	s31 =	sadd.s32 $0x0, s10;
	[bflag:$0x0] =	sbarrier.arrive $0xFFFF  }
0x3c: {  	[tilespmem:s15], [sflag:$0x1] =	stream.linear.gather [hbm4b:s31+s3], $0x80, $0x38;
	[tilespmem:$0x18080] =	vst v63  }
0x3d: {  	_ =	swait.ge [sflag:s12], $0x80  }
0x3e: {  	[sflag:s12] =	ssyncset.done $0x0  }
0x3f: {  	[sflag:s12] =	ssyncadd.s32 $0xFFFFFF80  }
0x40: {  	[spmem:s2] =	stream.indirect.scatter.add.f32 [tilespmem:s11], [sflag:$0x1], $0x80, s15, s16, $0xb8;
	[tilespmem:$0x18080] =	vst v63  }
0x41: {  	_ =	swait.ge [sflag:s12], $0x4000  }
0x42: {  	s19 =	simm.s32 $0x20;
	s18 =	simm.s32 $0x10;
	[sflag:s12] =	ssyncset.done $0x0  }
.LBB2_4:
0x43: {  	s20 =	sadd.s32 s18, s10  }
0x44: {  	[sflag:s12] =	ssyncadd.s32 $0xFFFFC000;
	s18 =	smov.u32 s19;
	s21 =	sadd.s32 $0x10, s19  }
0x45: {  	[tilespmem:s15], [sflag:$0x1] =	stream.linear.gather [hbm4b:s20+s3], $0x80, $0x38;
	[tilespmem:$0x18080] =	vst v63  }
0x46: {  	p0 =	sne.s32 s19, $0x4E0;
	_ =	swait.ge [sflag:s12], $0x80  }
.Ltmp1:
0x47: {  	[sflag:s12] =	ssyncset.done $0x0;
	(pc) =	sbr.rel @p0 .LBB2_4-.Ltmp1, $4  }
0x48: {  	[sflag:s12] =	ssyncadd.s32 $0xFFFFFF80  }
0x49: {  	[spmem:s2] =	stream.indirect.scatter.add.f32 [tilespmem:s11], [sflag:$0x1], $0x80, s15, s16, $0xb8;
	[tilespmem:$0x18080] =	vst v63  }
0x4a: {  	_ =	swait.ge [sflag:s12], $0x4000  }
0x4b: {  	s19 =	smov.u32 s21;
	[sflag:s12] =	ssyncset.done $0x0  }
0x4c: {  	s18 =	sadd.s32 s18, s10;
	[sflag:s12] =	ssyncadd.s32 $0xFFFFC000  }
0x4d: {  	[tilespmem:s15], [sflag:$0x1] =	stream.linear.gather [hbm4b:s18+s3], $0x80, $0x38;
	[tilespmem:$0x18080] =	vst v63  }
0x4e: {  	_ =	swait.ge [sflag:s12], $0x80  }
0x4f: {  	[sflag:s12] =	ssyncset.done $0x0  }
0x50: {  	[sflag:s12] =	ssyncadd.s32 $0xFFFFFF80  }
0x51: {  	[spmem:s2] =	stream.indirect.scatter.add.f32 [tilespmem:s11], [sflag:$0x1], $0x80, s15, s16, $0xb8;
	[tilespmem:$0x18080] =	vst v63  }
0x52: {  	_ =	swait.ge [sflag:s12], $0x4000  }
0x53: {  	s17 =	sadd.s32 $0x1, s17;
	[sflag:s12] =	ssyncset.done $0x0  }
0x54: {  	p0 =	sne.s32 s17, s8;
	[sflag:s12] =	ssyncadd.s32 $0xFFFFC000  }
.Ltmp2:
0x55: {  	[bflag:$0x0] =	sbarrier.arrive $0xFFFF;
	(pc) =	sbr.rel @p0 .LBB2_1-.Ltmp2, $4  }
0x56: {  	[hbm:s7], [sflag:s13] =	dma.local [spmem:s14], $0x2800  }
0x57: {  	_ =	swait.ge [sflag:s12], $0x2800  }
0x58: {  	[sflag:s12] =	ssyncset.done $0x0  }
0x59: {  	[sflag:s12] =	ssyncadd.s32 $0xFFFFD800  }
0x5a: {  	_ =	sfence.sel $0x180000  }
0x5b: {  	[bflag:$0x0] =	sbarrier.arrive $0xFFFF  }
0x5c: {  	p0 =	sne.s32 s0, $0x0;
	_ =	strace $0x90000047  }
0x5d: {  	s0 =	sadd.s32 @!p0 $0x100000, s1;
	[bflag:$0x2] =	sbarrier.arrive $0xFFFF  }
0x5e: {  	[sflag:s0] =	ssyncadd.tile.s32 @!p0 $0x1;
	_ =	shalt  }
.Lfunc_end2:
_tile_overlayer_lowered:
.L_overlay_start_2:
0x5f: {  	(tag) =	ssettag $0x2  }
0x60: {  	s0 =	rddreg [dreg:$0x0];
	s2 =	stileid.u32  }
0x61: {  	s1 =	rddreg [dreg:$0x1];
	p0 =	sne.s32 s2, $0x0  }
0x62: {  	s3 =	rddreg [dreg:$0x2];
	[bflag:$0x3] =	sbarrier.arrive $0xFFFF;
	s2 =	simm.s32 @!p0 $0x1C01  }
0x63: {  	[timem:s3], [sflag:s2] =	dma.local @!p0 [hbm:s0], s1  }
0x64: {  	s0 =	simm.s32 @!p0 $0x1  }
0x65: {  	_ =	swait.ge @!p0 [sflag:s0], s1  }
0x66: {  	s1 =	ssub.s32 @!p0 $0x0, s1;
	[sflag:s0] =	ssyncset.done @!p0 $0x0  }
0x67: {  	[sflag:s0] =	ssyncadd.s32 @!p0 s1  }
0x68: {  	[bflag:$0x3] =	sbarrier.arrive $0xFFFF  }
0x69: {  	_ =	shalt  }

// kernel: kernel.15.cloned.1.call-start
scs
__scs_entry_jumppad:
0x0: {  	(pc) =	sbr.rel $0x88, $3  }
0x1: {  	(tag) =	ssettag $0x0;
	lr =	simm.s32 $0x1  }
0x2: {  	[smem:$0x3F95] =	sst lr;
	_ =	strace $0xD0000000  }
0x3: {  	_ = 	snop  }
0x4: {  	_ = 	snop  }
0x5: {  	_ = 	snop  }
0x6: {  	_ = 	snop  }
0x7: {  	_ = 	snop  }
__scs_overlays_trampoline_lowered:
0x8: {  	[smem:$0x3FA4] =	sst s0  }
0x9: {  	[smem:$0x3FA5] =	sst s1  }
0xa: {  	[smem:$0x3FA6] =	sst s2  }
0xb: {  	[smem:$0x3FA7] =	sst s3  }
0xc: {  	[smem:$0x3FA8] =	sst s4  }
0xd: {  	[smem:$0x3FA9] =	sst s5  }
0xe: {  	[smem:$0x3FAA] =	sst s6  }
0xf: {  	[smem:$0x3FAB] =	sst s7  }
0x10: {  	[smem:$0x3FAC] =	sst s8  }
0x11: {  	[smem:$0x3FAD] =	sst s9;
	s0 =	simm.s32 @!p0 $0x0  }
0x12: {  	s1 =	sld [smem:$0x3F93];
	s0 =	simm.s32 @p0 $0x1  }
0x13: {  	[smem:$0x3FAE] =	sst s0;
	s0 =	simm.s32 @!p1 $0x0  }
0x14: {  	s2 =	sld [smem:$0x3F92];
	s0 =	simm.s32 @p1 $0x1  }
0x15: {  	[smem:$0x3FAF] =	sst s0;
	s0 =	simm.s32 @!p2 $0x0  }
0x16: {  	s3 =	sld [smem:$0x3FDB];
	s0 =	simm.s32 @p2 $0x1  }
0x17: {  	s4 =	simm.s32 $0x1BF5;
	[smem:$0x3FB1] =	sst s0  }
0x18: {  	s0 =	sld [smem:$0x3F94];
	_ =	swait.ge [sflag:s4], $0x0  }
0x19: {  	s7 =	sld [smem:$0x3F95]  }
0x1a: {  	s8 =	sadd.s32 $0xFFFFE003, lr  }
0x1b: {  	s9 =	sadd.s32 $0xFFFFFEF7, lr;
	s5 =	simm.s32 $0xFFFFFFFF;
	p2 =	slt.u32 s8, $0xFFFFF086  }
0x1c: {  	p1 =	slt.u32 s9, $0xF7A;
	s5 =	simm.s32 @!p2 $0x0  }
0x1d: {  	s5 =	simm.s32 @p1 $0x1;
	p0 =	seq.s32 s7, s2  }
0x1e: {  	s7 =	smul.u32 @!p0 $0xF7A, s2;
	p2 =	seq.s32 @!p0 s5, $0x0  }
0x1f: {  	s9 =	smul.u32 $0xF7A, s1;
	s8 =	simm.s32 @!p0 $0x1BF5;
	p2 =	por !p2, p0  }
0x20: {  	[sflag:s8] =	ssyncset.s32 @!p0 $0xFFFFF086;
	s6 =	sadd.s32 @!p0 s3, s7;
	s7 =	simm.s32 @!p0 $0x108  }
0x21: {  	s3 =	sadd.s32 s3, s9;
	s6 =	sadd.s32 @!p0 $0x88, s6;
	s7 =	simm.s32 @p2 $0x1082  }
0x22: {  	[simem:s7], [sflag:s8] =	dma.local @!p0 [hbm:s6], $0xF7A  }
0x23: {  	s9 =	sor.u32 $0xD0000000, s2;
	s6 =	simm.s32 $0x108;
	_ =	swait.ge @!p0 [sflag:s8], $0x0  }
0x24: {  	s3 =	sadd.s32 $0x88, s3;
	s6 =	simm.s32 @!p1 $0x1082;
	[sflag:s4] =	ssyncset.s32 $0xFFFFF086  }
0x25: {  	[simem:s6], [sflag:s4] =	dma.local [hbm:s3], $0xF7A  }
0x26: {  	[smem:$0x3F95] =	sst s1;
	(tag) =	ssettag s2;
	_ =	strace s9  }
0x27: {  	s1 =	sld [smem:$0x3FA5]  }
0x28: {  	s2 =	sld [smem:$0x3FA6]  }
0x29: {  	s4 =	sld [smem:$0x3FA8]  }
0x2a: {  	p0 =	seq.s32 s5, $0x0;
	s5 =	sld [smem:$0x3FA9]  }
0x2b: {  	s6 =	sld [smem:$0x3FAA]  }
0x2c: {  	s7 =	sld [smem:$0x3FAB]  }
0x2d: {  	s3 =	simm.s32 $0x108;
	s8 =	sld [smem:$0x3FAC]  }
0x2e: {  	s3 =	simm.s32 @!p0 $0x1082;
	s9 =	sld [smem:$0x3FAD]  }
0x2f: {  	lr =	sadd.s32 s0, s3;
	s0 =	sld [smem:$0x3FA4]  }
0x30: {  	s3 =	sld [smem:$0x3FA7]  }
0x31: {  	[smem:$0x3FB0] =	sst s10  }
0x32: {  	s10 =	sld [smem:$0x3FAE];
	_ =	sdelay $0x3  }
0x33: {  	p0 =	seq.s32 s10, $0x1;
	s10 =	sld [smem:$0x3FB0];
	_ =	sdelay $0x3  }
0x34: {  	[smem:$0x3FB0] =	sst s10  }
0x35: {  	s10 =	sld [smem:$0x3FAF];
	_ =	sdelay $0x3  }
0x36: {  	p1 =	seq.s32 s10, $0x1;
	s10 =	sld [smem:$0x3FB0];
	_ =	sdelay $0x3  }
0x37: {  	[smem:$0x3FB0] =	sst s10  }
0x38: {  	s10 =	sld [smem:$0x3FB1]  }
0x39: {  	_ = 	snop;
	(pc) =	sbr.ind lr, $3  }
0x3a: {  	_ = 	snop  }
0x3b: {  	_ = 	snop  }
0x3c: {  	p2 =	seq.s32 s10, $0x1;
	s10 =	sld [smem:$0x3FB0]  }
0x3d: {  	_ =	shalt  }
0x3e: {  	_ =	shalt  }
0x3f: {  	_ =	shalt  }
0x40: {  	_ =	shalt  }
0x41: {  	_ =	shalt  }
0x42: {  	_ =	shalt  }
0x43: {  	_ =	shalt  }
0x44: {  	_ =	shalt  }
0x45: {  	_ =	shalt  }
0x46: {  	_ =	shalt  }
0x47: {  	_ =	shalt  }
0x48: {  	_ =	shalt  }
0x49: {  	_ =	shalt  }
0x4a: {  	_ =	shalt  }
0x4b: {  	_ =	shalt  }
0x4c: {  	_ =	shalt  }
0x4d: {  	_ =	shalt  }
0x4e: {  	_ =	shalt  }
0x4f: {  	_ =	shalt  }
0x50: {  	_ =	shalt  }
0x51: {  	_ =	shalt  }
0x52: {  	_ =	shalt  }
0x53: {  	_ =	shalt  }
0x54: {  	_ =	shalt  }
0x55: {  	_ =	shalt  }
0x56: {  	_ =	shalt  }
0x57: {  	_ =	shalt  }
0x58: {  	_ =	shalt  }
0x59: {  	_ =	shalt  }
0x5a: {  	_ =	shalt  }
0x5b: {  	_ =	shalt  }
0x5c: {  	_ =	shalt  }
0x5d: {  	_ =	shalt  }
0x5e: {  	_ =	shalt  }
0x5f: {  	_ =	shalt  }
0x60: {  	_ =	shalt  }
0x61: {  	_ =	shalt  }
0x62: {  	_ =	shalt  }
0x63: {  	_ =	shalt  }
0x64: {  	_ =	shalt  }
0x65: {  	_ =	shalt  }
0x66: {  	_ =	shalt  }
0x67: {  	_ =	shalt  }
0x68: {  	_ =	shalt  }
0x69: {  	_ =	shalt  }
0x6a: {  	_ =	shalt  }
0x6b: {  	_ =	shalt  }
0x6c: {  	_ =	shalt  }
0x6d: {  	_ =	shalt  }
0x6e: {  	_ =	shalt  }
0x6f: {  	_ =	shalt  }
0x70: {  	_ =	shalt  }
0x71: {  	_ =	shalt  }
0x72: {  	_ =	shalt  }
0x73: {  	_ =	shalt  }
0x74: {  	_ =	shalt  }
0x75: {  	_ =	shalt  }
0x76: {  	_ =	shalt  }
0x77: {  	_ =	shalt  }
0x78: {  	_ =	shalt  }
0x79: {  	_ =	shalt  }
0x7a: {  	_ =	shalt  }
0x7b: {  	_ =	shalt  }
0x7c: {  	_ =	shalt  }
0x7d: {  	_ =	shalt  }
0x7e: {  	_ =	shalt  }
0x7f: {  	_ =	shalt  }
0x80: {  	_ =	shalt  }
0x81: {  	_ =	shalt  }
0x82: {  	_ =	shalt  }
0x83: {  	_ =	shalt  }
0x84: {  	_ =	shalt  }
0x85: {  	_ =	shalt  }
0x86: {  	_ =	shalt  }
0x87: {  	_ =	shalt  }
.Lfunc_end0:
.L_simem_size_0:
called_computation.1_lowered:
.L_overlay_start_0:
0x88: {  	s2 =	sld [smem:$0x3FD9]  }
0x89: {  	s3 =	sld [smem:$0x3FFE];
	_ =	sdelay $0x1  }
0x8a: {  	s1 =	srdreg.scid  }
0x8b: {  	s0 =	sand.u32 $0x1, s1  }
0x8c: {  	s16 =	sshll.u32 s0, $0xA;
	s2 =	sadd.s32 s3, s2  }
0x8d: {  	s2 =	sadd.s32 s2, s16  }
0x8e: {  	[smem:$0x3FBC] =	sst s2  }
0x8f: {  	_ = 	snop  }
0x90: {  	(tm) =	ssettm $0x1  }
0x91: {  	s17 =	sld [smem:$0x3FFB];
	_ =	sdelay $0x3  }
0x92: {  	_ =	strace s17  }
0x93: {  	s2 =	sld [smem:$0x3FFC];
	_ =	sdelay $0x3  }
0x94: {  	_ =	strace s2  }
0x95: {  	s2 =	sld [smem:$0x3FFD];
	_ =	sdelay $0x3  }
0x96: {  	_ =	strace s2  }
0x97: {  	_ =	strace $0x8FFFFFFF  }
0x98: {  	s18 =	sld [smem:$0x3FDB];
	_ =	sdelay $0x1  }
0x99: {  	s19 =	simm.s32 $_scs_section_size  }
0x9a: {  	s4 =	simm.s32 $_size__tile_overlayer_lowered;
	s5 =	simm.s32 $_tile_overlayer_lowered  }
0x9b: {  	s22 =	simm.s32 $0x1BFF;
	s21 =	sshll.u32 s5, $0x1;
	s2 =	sadd.s32 s19, s18  }
0x9c: {  	s6 =	simm.s32 $0x0;
	s20 =	sshll.u32 s4, $0x1;
	s4 =	sadd.s32 s21, s2  }
0x9d: {  	[timem:s6], [sflag:s22] =	dma.local [hbm:s4], s20  }
0x9e: {  	_ =	swait.ge [sflag:s22], s20  }
0x9f: {  	s3 =	ssub.s32 $0x0, s20;
	[sflag:s22] =	ssyncset.done $0x0  }
0xa0: {  	[sflag:s22] =	ssyncadd.s32 s3;
	_ =	sdelay $0x1  }
0xa1: {  	s23 =	simm.s32 $0x1B8B  }
0xa2: {  	_ =	swait.ge [sflag:s23], $0x1  }
0xa3: {  	[sflag:s23] =	ssyncset.done $0x0  }
0xa4: {  	s25 =	simm.s32 $0x1B8E;
	s24 =	sld [smem:$0x3FFE];
	[sflag:s23] =	ssyncadd.s32 $0xFFFFFFFF  }
0xa5: {  	s26 =	simm.s32 $execute0_lowered;
	[smem:$0x3FD2] =	sst s25  }
0xa6: {  	s4 =	sshll.u32 s26, $0x1;
	_ =	strace $0x80000049;
	[dreg:$0x1] =	wrdreg $0xFFFFFFFF  }
0xa7: {  	s28 =	simm.s32 $_size_execute0_lowered;
	s2 =	sadd.s32 s2, s4;
	[dreg:$0x0] =	wrdreg $0x0  }
0xa8: {  	s4 =	sshll.u32 s28, $0x1;
	[dreg:$0x2] =	wrdreg s2  }
0xa9: {  	[dreg:$0x3] =	wrdreg s4  }
0xaa: {  	[dreg:$0x4] =	wrdreg $0xC0  }
0xab: {  	_ =	task [dreg:s6], $0x5FFFF  }
0xac: {  	[dreg:$0x1] =	wrdreg $0xFFFFFFFF  }
0xad: {  	[dreg:$0x0] =	wrdreg $0x60  }
0xae: {  	[dreg:$0x2] =	wrdreg s24  }
0xaf: {  	[dreg:$0x3] =	wrdreg $0x0  }
0xb0: {  	[dreg:$0x4] =	wrdreg $0x9  }
0xb1: {  	_ =	task.clear_ibuf [dreg:s6], $0x5FFFF;
	_ =	strace $0x90000049  }
0xb2: {  	s29 =	simm.s32 $0x9;
	_ =	strace $0x8000004B  }
0xb3: {  	_ =	swait.ge [sflag:s29], $0x1  }
0xb4: {  	[sflag:s29] =	ssyncadd.s32 $0xFFFFFFFF  }
0xb5: {  	_ =	strace $0x9000004B  }
0xb6: {  	_ =	sfence  }
0xb7: {  	s30 =	sld [smem:$0x0];
	_ =	sdelay $0x2  }
0xb8: {  	s31 =	sshll.u32 s1, $0xD;
	s1 =	sshrl.u32 s1, $0x2  }
0xb9: {  	s3 =	sand.u32 $0x4000, s31;
	s1 =	sadd.s32 s1, s30  }
0xba: {  	s0 =	sor.u32 s3, s0;
	s1 =	sshll.u32 s1, $0x11  }
0xbb: {  	s0 =	sor.u32 s1, s0  }
0xbc: {  	s0 =	sadd.s32 $0x8F2B, s0  }
0xbd: {  	[sflag:s0] =	ssyncadd.remote.s32 $0x1  }
0xbe: {  	_ =	sfence.sel $0xFFFF  }
0xbf: {  	[dreg:$0x0] =	wrdreg $0xFFFFFFFF;
	(pc) =	sbr.abs _section_cstart, $3  }
0xc0: {  	[dreg:$0x1] =	wrdreg $0xFFFFFFFF  }
0xc1: {  	_ =	task.clear_ibuf [dreg:s6], $0x2FFFF;
	_ =	strace $0x9FFFFFFF  }
0xc2: {  	(tm) =	ssettm $0x7FFFFFFF  }
0xc3: {  	_ =	shalt  }
tec
execute0_lowered:
.L_overlay_start_1:
0x0: {  	(tag) =	ssettag $0x1  }
0x1: {  	s6 =	rddreg [dreg:$0x0]  }
0x2: {  	s0 =	srdreg.scid;
	s1 =	rddreg [dreg:$0x1];
	s3 =	simm.s32 $0x0  }
0x3: {  	s2 =	stileid.u32;
	s14 =	simm.s32 $0x14080;
	s15 =	simm.s32 $0x80  }
0x4: {  	s16 =	simm.s32 $0x14100;
	s17 =	simm.s32 $0x1;
	s9 =	smul.u32 $0x14000, s2  }
0x5: {  	s7 =	sand.u32 $0x1, s0;
	s0 =	rddreg [dreg:$0x2];
	s28 =	smul.u32 $0x50000, s2  }
0x6: {  	s18 =	simm.s32 $0x0;
	[smem:$0x7FF] =	sst s3;
	s11 =	smul.u32 $0x4F0, s2  }
0x7: {  	s4 =	sadd.s32 $0x19C00, s6;
	s31 =	sshll.u32 s2, $0x6;
	s5 =	smul.u32 $0x4F00, s7  }
0x8: {  	s8 =	smul.u32 $0x140000, s7;
	_ =	strace $0x8000004A;
	s7 =	ssub.s32 $0x2, s7  }
0x9: {  	s29 =	sshrl.u32 s7, $0x1;
	s30 =	sshrl.u32 s28, $0x2;
	s10 =	sadd.s32 s5, s6  }
0xa: {  	s5 =	sadd.s32 $0x17400, s6;
	s8 =	sadd.s32 s9, s8;
	s12 =	ssub.s32 s7, s29  }
0xb: {  	s13 =	sadd.s32 s30, s1;
	s8 =	sshrl.u32 s8, $0x3;
	s10 =	sadd.s32 s11, s10  }
0xc: {  	s11 =	sshrl.u32 s13, $0x3;
	s13 =	simm.s32 $0x14000;
	s8 =	sadd.s32 s8, s6  }
0xd: {  	s6 =	sor.u32 $0x1C02, s31;
	s9 =	sadd.s32 $0xD600, s10;
	s10 =	sadd.s32 $0x3800, s10  }
0xe: {  	s7 =	sadd.s32 $0x41C00, s8;
	s8 =	smax.u32 s12, $0x1;
	s12 =	simm.s32 $0x2  }
.LBB2_1:
0xf: {  	[spmem:s11], [sflag:s6] =	dma.local [hbm:s5], $0x2800  }
0x10: {  	_ =	swait.ge [sflag:s12], $0x2800  }
0x11: {  	[sflag:s12] =	ssyncset.done $0x0  }
0x12: {  	[sflag:s12] =	ssyncadd.s32 $0xFFFFD800  }
0x13: {  	s19 =	sadd.s32 $0x0, s10;
	[bflag:$0x0] =	sbarrier.arrive $0xFFFF  }
0x14: {  	[tilespmem:s13], [sflag:$0x2] =	stream.linear.gather [hbm4b:s19+s3], $0x80, $0x38;
	[tilespmem:$0x18100] =	vst v63  }
0x15: {  	_ =	swait.ge [sflag:s12], $0x80  }
0x16: {  	[sflag:s12] =	ssyncset.done $0x0  }
0x17: {  	s31 =	sadd.s32 $0x0, s9;
	[sflag:s12] =	ssyncadd.s32 $0xFFFFFF80  }
0x18: {  	[tilespmem:s14], [sflag:$0x2] =	stream.linear.gather [hbm4b:s31+s3], $0x80, $0x38;
	[tilespmem:$0x18100] =	vst v63  }
0x19: {  	_ =	swait.ge [sflag:s12], $0x80  }
0x1a: {  	[sflag:s12] =	ssyncset.done $0x0  }
0x1b: {  	[sflag:s12] =	ssyncadd.s32 $0xFFFFFF80  }
0x1c: {  	[tilespmem:s16], [sflag:$0x1] =	stream.indirect.gather [hbm4b:s4+s15], $0x80, s13, s15, $0xb8;
	[tilespmem:$0x18100] =	vst v63  }
0x1d: {  	_ =	swait.ge [sflag:s17], $0x4000  }
0x1e: {  	[sflag:s17] =	ssyncset.done $0x0  }
0x1f: {  	[sflag:s17] =	ssyncadd.s32 $0xFFFFC000  }
0x20: {  	[spmem:s1] =	stream.indirect.scatter.add.f32 [tilespmem:s16], [sflag:$0x2], $0x80, s14, s15, $0xb8;
	[tilespmem:$0x18100] =	vst v63  }
0x21: {  	_ =	swait.ge [sflag:s12], $0x4000  }
0x22: {  	s20 =	simm.s32 $0x20;
	s19 =	simm.s32 $0x10;
	[sflag:s12] =	ssyncset.done $0x0  }
.LBB2_2:
0x23: {  	s21 =	sadd.s32 s19, s10  }
0x24: {  	[sflag:s12] =	ssyncadd.s32 $0xFFFFC000;
	s22 =	smov.u32 s20;
	s23 =	sadd.s32 $0x10, s20  }
0x25: {  	[tilespmem:s13], [sflag:$0x2] =	stream.linear.gather [hbm4b:s21+s3], $0x80, $0x38;
	[tilespmem:$0x18100] =	vst v63  }
0x26: {  	p0 =	sne.s32 s20, $0x4E0;
	_ =	swait.ge [sflag:s12], $0x80  }
0x27: {  	[sflag:s12] =	ssyncset.done $0x0  }
0x28: {  	s20 =	sadd.s32 s19, s9;
	s19 =	smov.u32 s22;
	[sflag:s12] =	ssyncadd.s32 $0xFFFFFF80  }
0x29: {  	[tilespmem:s14], [sflag:$0x2] =	stream.linear.gather [hbm4b:s20+s3], $0x80, $0x38;
	[tilespmem:$0x18100] =	vst v63  }
0x2a: {  	_ =	swait.ge [sflag:s12], $0x80  }
0x2b: {  	[sflag:s12] =	ssyncset.done $0x0  }
0x2c: {  	[sflag:s12] =	ssyncadd.s32 $0xFFFFFF80  }
0x2d: {  	[tilespmem:s16], [sflag:$0x1] =	stream.indirect.gather [hbm4b:s4+s15], $0x80, s13, s15, $0xb8;
	[tilespmem:$0x18100] =	vst v63  }
0x2e: {  	_ =	swait.ge [sflag:s17], $0x4000  }
.Ltmp0:
0x2f: {  	[sflag:s17] =	ssyncset.done $0x0;
	(pc) =	sbr.rel @p0 .LBB2_2-.Ltmp0, $4  }
0x30: {  	[sflag:s17] =	ssyncadd.s32 $0xFFFFC000  }
0x31: {  	[spmem:s1] =	stream.indirect.scatter.add.f32 [tilespmem:s16], [sflag:$0x2], $0x80, s14, s15, $0xb8;
	[tilespmem:$0x18100] =	vst v63  }
0x32: {  	_ =	swait.ge [sflag:s12], $0x4000  }
0x33: {  	s20 =	smov.u32 s23;
	[sflag:s12] =	ssyncset.done $0x0  }
0x34: {  	s20 =	sadd.s32 s19, s10;
	[sflag:s12] =	ssyncadd.s32 $0xFFFFC000  }
0x35: {  	[tilespmem:s13], [sflag:$0x2] =	stream.linear.gather [hbm4b:s20+s3], $0x80, $0x38;
	[tilespmem:$0x18100] =	vst v63  }
0x36: {  	_ =	swait.ge [sflag:s12], $0x80  }
0x37: {  	[sflag:s12] =	ssyncset.done $0x0  }
0x38: {  	s31 =	sadd.s32 s19, s9;
	[sflag:s12] =	ssyncadd.s32 $0xFFFFFF80  }
0x39: {  	[tilespmem:s14], [sflag:$0x2] =	stream.linear.gather [hbm4b:s31+s3], $0x80, $0x38;
	[tilespmem:$0x18100] =	vst v63  }
0x3a: {  	_ =	swait.ge [sflag:s12], $0x80  }
0x3b: {  	[sflag:s12] =	ssyncset.done $0x0  }
0x3c: {  	[sflag:s12] =	ssyncadd.s32 $0xFFFFFF80  }
0x3d: {  	[tilespmem:s16], [sflag:$0x1] =	stream.indirect.gather [hbm4b:s4+s15], $0x80, s13, s15, $0xb8;
	[tilespmem:$0x18100] =	vst v63  }
0x3e: {  	_ =	swait.ge [sflag:s17], $0x4000  }
0x3f: {  	[sflag:s17] =	ssyncset.done $0x0  }
0x40: {  	[sflag:s17] =	ssyncadd.s32 $0xFFFFC000  }
0x41: {  	[spmem:s1] =	stream.indirect.scatter.add.f32 [tilespmem:s16], [sflag:$0x2], $0x80, s14, s15, $0xb8;
	[tilespmem:$0x18100] =	vst v63  }
0x42: {  	_ =	swait.ge [sflag:s12], $0x4000  }
0x43: {  	s18 =	sadd.s32 $0x1, s18;
	[sflag:s12] =	ssyncset.done $0x0  }
0x44: {  	p0 =	sne.s32 s18, s8;
	[sflag:s12] =	ssyncadd.s32 $0xFFFFC000  }
.Ltmp1:
0x45: {  	[bflag:$0x0] =	sbarrier.arrive $0xFFFF;
	(pc) =	sbr.rel @p0 .LBB2_1-.Ltmp1, $4  }
0x46: {  	[hbm:s7], [sflag:s6] =	dma.local [spmem:s11], $0x2800  }
0x47: {  	_ =	swait.ge [sflag:s12], $0x2800  }
0x48: {  	[sflag:s12] =	ssyncset.done $0x0  }
0x49: {  	[sflag:s12] =	ssyncadd.s32 $0xFFFFD800  }
0x4a: {  	_ =	sfence.sel $0x180000  }
0x4b: {  	[bflag:$0x0] =	sbarrier.arrive $0xFFFF  }
0x4c: {  	p0 =	sne.s32 s2, $0x0;
	_ =	strace $0x9000004A  }
0x4d: {  	s0 =	sadd.s32 @!p0 $0x100000, s0;
	[bflag:$0x2] =	sbarrier.arrive $0xFFFF  }
0x4e: {  	[sflag:s0] =	ssyncadd.tile.s32 @!p0 $0x1;
	_ =	shalt  }
.Lfunc_end2:
_tile_overlayer_lowered:
.L_overlay_start_2:
0x4f: {  	(tag) =	ssettag $0x2  }
0x50: {  	s0 =	rddreg [dreg:$0x0];
	s2 =	stileid.u32  }
0x51: {  	s1 =	rddreg [dreg:$0x1];
	p0 =	sne.s32 s2, $0x0  }
0x52: {  	s3 =	rddreg [dreg:$0x2];
	[bflag:$0x3] =	sbarrier.arrive $0xFFFF;
	s2 =	simm.s32 @!p0 $0x1C02  }
0x53: {  	[timem:s3], [sflag:s2] =	dma.local @!p0 [hbm:s0], s1  }
0x54: {  	s0 =	simm.s32 @!p0 $0x2  }
0x55: {  	_ =	swait.ge @!p0 [sflag:s0], s1  }
0x56: {  	s1 =	ssub.s32 @!p0 $0x0, s1;
	[sflag:s0] =	ssyncset.done @!p0 $0x0  }
0x57: {  	[sflag:s0] =	ssyncadd.s32 @!p0 s1  }
0x58: {  	[bflag:$0x3] =	sbarrier.arrive $0xFFFF  }
0x59: {  	_ =	shalt  }

// kernel: kernel.18.cloned.1.call-start
scs
__scs_entry_jumppad:
0x0: {  	(pc) =	sbr.rel $0x88, $3  }
0x1: {  	(tag) =	ssettag $0x0;
	lr =	simm.s32 $0x1  }
0x2: {  	[smem:$0x3F95] =	sst lr;
	_ =	strace $0xD0000000  }
0x3: {  	_ = 	snop  }
0x4: {  	_ = 	snop  }
0x5: {  	_ = 	snop  }
0x6: {  	_ = 	snop  }
0x7: {  	_ = 	snop  }
__scs_overlays_trampoline_lowered:
0x8: {  	[smem:$0x3FA4] =	sst s0  }
0x9: {  	[smem:$0x3FA5] =	sst s1  }
0xa: {  	[smem:$0x3FA6] =	sst s2  }
0xb: {  	[smem:$0x3FA7] =	sst s3  }
0xc: {  	[smem:$0x3FA8] =	sst s4  }
0xd: {  	[smem:$0x3FA9] =	sst s5  }
0xe: {  	[smem:$0x3FAA] =	sst s6  }
0xf: {  	[smem:$0x3FAB] =	sst s7  }
0x10: {  	[smem:$0x3FAC] =	sst s8  }
0x11: {  	[smem:$0x3FAD] =	sst s9;
	s0 =	simm.s32 @!p0 $0x0  }
0x12: {  	s1 =	sld [smem:$0x3F93];
	s0 =	simm.s32 @p0 $0x1  }
0x13: {  	[smem:$0x3FAE] =	sst s0;
	s0 =	simm.s32 @!p1 $0x0  }
0x14: {  	s2 =	sld [smem:$0x3F92];
	s0 =	simm.s32 @p1 $0x1  }
0x15: {  	[smem:$0x3FAF] =	sst s0;
	s0 =	simm.s32 @!p2 $0x0  }
0x16: {  	s3 =	sld [smem:$0x3FDB];
	s0 =	simm.s32 @p2 $0x1  }
0x17: {  	s4 =	simm.s32 $0x1BF5;
	[smem:$0x3FB1] =	sst s0  }
0x18: {  	s0 =	sld [smem:$0x3F94];
	_ =	swait.ge [sflag:s4], $0x0  }
0x19: {  	s7 =	sld [smem:$0x3F95]  }
0x1a: {  	s8 =	sadd.s32 $0xFFFFE003, lr  }
0x1b: {  	s9 =	sadd.s32 $0xFFFFFEF7, lr;
	s5 =	simm.s32 $0xFFFFFFFF;
	p2 =	slt.u32 s8, $0xFFFFF086  }
0x1c: {  	p1 =	slt.u32 s9, $0xF7A;
	s5 =	simm.s32 @!p2 $0x0  }
0x1d: {  	s5 =	simm.s32 @p1 $0x1;
	p0 =	seq.s32 s7, s2  }
0x1e: {  	s7 =	smul.u32 @!p0 $0xF7A, s2;
	p2 =	seq.s32 @!p0 s5, $0x0  }
0x1f: {  	s9 =	smul.u32 $0xF7A, s1;
	s8 =	simm.s32 @!p0 $0x1BF5;
	p2 =	por !p2, p0  }
0x20: {  	[sflag:s8] =	ssyncset.s32 @!p0 $0xFFFFF086;
	s6 =	sadd.s32 @!p0 s3, s7;
	s7 =	simm.s32 @!p0 $0x108  }
0x21: {  	s3 =	sadd.s32 s3, s9;
	s6 =	sadd.s32 @!p0 $0x88, s6;
	s7 =	simm.s32 @p2 $0x1082  }
0x22: {  	[simem:s7], [sflag:s8] =	dma.local @!p0 [hbm:s6], $0xF7A  }
0x23: {  	s9 =	sor.u32 $0xD0000000, s2;
	s6 =	simm.s32 $0x108;
	_ =	swait.ge @!p0 [sflag:s8], $0x0  }
0x24: {  	s3 =	sadd.s32 $0x88, s3;
	s6 =	simm.s32 @!p1 $0x1082;
	[sflag:s4] =	ssyncset.s32 $0xFFFFF086  }
0x25: {  	[simem:s6], [sflag:s4] =	dma.local [hbm:s3], $0xF7A  }
0x26: {  	[smem:$0x3F95] =	sst s1;
	(tag) =	ssettag s2;
	_ =	strace s9  }
0x27: {  	s1 =	sld [smem:$0x3FA5]  }
0x28: {  	s2 =	sld [smem:$0x3FA6]  }
0x29: {  	s4 =	sld [smem:$0x3FA8]  }
0x2a: {  	p0 =	seq.s32 s5, $0x0;
	s5 =	sld [smem:$0x3FA9]  }
0x2b: {  	s6 =	sld [smem:$0x3FAA]  }
0x2c: {  	s7 =	sld [smem:$0x3FAB]  }
0x2d: {  	s3 =	simm.s32 $0x108;
	s8 =	sld [smem:$0x3FAC]  }
0x2e: {  	s3 =	simm.s32 @!p0 $0x1082;
	s9 =	sld [smem:$0x3FAD]  }
0x2f: {  	lr =	sadd.s32 s0, s3;
	s0 =	sld [smem:$0x3FA4]  }
0x30: {  	s3 =	sld [smem:$0x3FA7]  }
0x31: {  	[smem:$0x3FB0] =	sst s10  }
0x32: {  	s10 =	sld [smem:$0x3FAE];
	_ =	sdelay $0x3  }
0x33: {  	p0 =	seq.s32 s10, $0x1;
	s10 =	sld [smem:$0x3FB0];
	_ =	sdelay $0x3  }
0x34: {  	[smem:$0x3FB0] =	sst s10  }
0x35: {  	s10 =	sld [smem:$0x3FAF];
	_ =	sdelay $0x3  }
0x36: {  	p1 =	seq.s32 s10, $0x1;
	s10 =	sld [smem:$0x3FB0];
	_ =	sdelay $0x3  }
0x37: {  	[smem:$0x3FB0] =	sst s10  }
0x38: {  	s10 =	sld [smem:$0x3FB1]  }
0x39: {  	_ = 	snop;
	(pc) =	sbr.ind lr, $3  }
0x3a: {  	_ = 	snop  }
0x3b: {  	_ = 	snop  }
0x3c: {  	p2 =	seq.s32 s10, $0x1;
	s10 =	sld [smem:$0x3FB0]  }
0x3d: {  	_ =	shalt  }
0x3e: {  	_ =	shalt  }
0x3f: {  	_ =	shalt  }
0x40: {  	_ =	shalt  }
0x41: {  	_ =	shalt  }
0x42: {  	_ =	shalt  }
0x43: {  	_ =	shalt  }
0x44: {  	_ =	shalt  }
0x45: {  	_ =	shalt  }
0x46: {  	_ =	shalt  }
0x47: {  	_ =	shalt  }
0x48: {  	_ =	shalt  }
0x49: {  	_ =	shalt  }
0x4a: {  	_ =	shalt  }
0x4b: {  	_ =	shalt  }
0x4c: {  	_ =	shalt  }
0x4d: {  	_ =	shalt  }
0x4e: {  	_ =	shalt  }
0x4f: {  	_ =	shalt  }
0x50: {  	_ =	shalt  }
0x51: {  	_ =	shalt  }
0x52: {  	_ =	shalt  }
0x53: {  	_ =	shalt  }
0x54: {  	_ =	shalt  }
0x55: {  	_ =	shalt  }
0x56: {  	_ =	shalt  }
0x57: {  	_ =	shalt  }
0x58: {  	_ =	shalt  }
0x59: {  	_ =	shalt  }
0x5a: {  	_ =	shalt  }
0x5b: {  	_ =	shalt  }
0x5c: {  	_ =	shalt  }
0x5d: {  	_ =	shalt  }
0x5e: {  	_ =	shalt  }
0x5f: {  	_ =	shalt  }
0x60: {  	_ =	shalt  }
0x61: {  	_ =	shalt  }
0x62: {  	_ =	shalt  }
0x63: {  	_ =	shalt  }
0x64: {  	_ =	shalt  }
0x65: {  	_ =	shalt  }
0x66: {  	_ =	shalt  }
0x67: {  	_ =	shalt  }
0x68: {  	_ =	shalt  }
0x69: {  	_ =	shalt  }
0x6a: {  	_ =	shalt  }
0x6b: {  	_ =	shalt  }
0x6c: {  	_ =	shalt  }
0x6d: {  	_ =	shalt  }
0x6e: {  	_ =	shalt  }
0x6f: {  	_ =	shalt  }
0x70: {  	_ =	shalt  }
0x71: {  	_ =	shalt  }
0x72: {  	_ =	shalt  }
0x73: {  	_ =	shalt  }
0x74: {  	_ =	shalt  }
0x75: {  	_ =	shalt  }
0x76: {  	_ =	shalt  }
0x77: {  	_ =	shalt  }
0x78: {  	_ =	shalt  }
0x79: {  	_ =	shalt  }
0x7a: {  	_ =	shalt  }
0x7b: {  	_ =	shalt  }
0x7c: {  	_ =	shalt  }
0x7d: {  	_ =	shalt  }
0x7e: {  	_ =	shalt  }
0x7f: {  	_ =	shalt  }
0x80: {  	_ =	shalt  }
0x81: {  	_ =	shalt  }
0x82: {  	_ =	shalt  }
0x83: {  	_ =	shalt  }
0x84: {  	_ =	shalt  }
0x85: {  	_ =	shalt  }
0x86: {  	_ =	shalt  }
0x87: {  	_ =	shalt  }
.Lfunc_end0:
.L_simem_size_0:
called_computation.2_lowered:
.L_overlay_start_0:
0x88: {  	s2 =	sld [smem:$0x3FD9]  }
0x89: {  	s3 =	sld [smem:$0x3FFE];
	_ =	sdelay $0x1  }
0x8a: {  	s1 =	srdreg.scid  }
0x8b: {  	s0 =	sand.u32 $0x1, s1  }
0x8c: {  	s16 =	sshll.u32 s0, $0xA;
	s2 =	sadd.s32 s3, s2  }
0x8d: {  	s2 =	sadd.s32 s2, s16  }
0x8e: {  	[smem:$0x3FBC] =	sst s2  }
0x8f: {  	_ = 	snop  }
0x90: {  	(tm) =	ssettm $0x1  }
0x91: {  	s17 =	sld [smem:$0x3FFB];
	_ =	sdelay $0x3  }
0x92: {  	_ =	strace s17  }
0x93: {  	s2 =	sld [smem:$0x3FFC];
	_ =	sdelay $0x3  }
0x94: {  	_ =	strace s2  }
0x95: {  	s2 =	sld [smem:$0x3FFD];
	_ =	sdelay $0x3  }
0x96: {  	_ =	strace s2  }
0x97: {  	_ =	strace $0x8FFFFFFF  }
0x98: {  	s18 =	sld [smem:$0x3FDB];
	_ =	sdelay $0x1  }
0x99: {  	s19 =	simm.s32 $_scs_section_size  }
0x9a: {  	s4 =	simm.s32 $_size__tile_overlayer_lowered;
	s5 =	simm.s32 $_tile_overlayer_lowered  }
0x9b: {  	s22 =	simm.s32 $0x1BFF;
	s21 =	sshll.u32 s5, $0x1;
	s2 =	sadd.s32 s19, s18  }
0x9c: {  	s6 =	simm.s32 $0x0;
	s20 =	sshll.u32 s4, $0x1;
	s4 =	sadd.s32 s21, s2  }
0x9d: {  	[timem:s6], [sflag:s22] =	dma.local [hbm:s4], s20  }
0x9e: {  	_ =	swait.ge [sflag:s22], s20  }
0x9f: {  	s3 =	ssub.s32 $0x0, s20;
	[sflag:s22] =	ssyncset.done $0x0  }
0xa0: {  	[sflag:s22] =	ssyncadd.s32 s3;
	_ =	sdelay $0x1  }
0xa1: {  	s23 =	simm.s32 $0x1B8B  }
0xa2: {  	_ =	swait.ge [sflag:s23], $0x1  }
0xa3: {  	[sflag:s23] =	ssyncset.done $0x0  }
0xa4: {  	s25 =	simm.s32 $0x1B8E;
	s24 =	sld [smem:$0x3FFE];
	[sflag:s23] =	ssyncadd.s32 $0xFFFFFFFF  }
0xa5: {  	s26 =	simm.s32 $execute0_lowered;
	[smem:$0x3FD2] =	sst s25  }
0xa6: {  	s4 =	sshll.u32 s26, $0x1;
	_ =	strace $0x8000004C;
	[dreg:$0x1] =	wrdreg $0xFFFFFFFF  }
0xa7: {  	s28 =	simm.s32 $_size_execute0_lowered;
	s2 =	sadd.s32 s2, s4;
	[dreg:$0x0] =	wrdreg $0x0  }
0xa8: {  	s4 =	sshll.u32 s28, $0x1;
	[dreg:$0x2] =	wrdreg s2  }
0xa9: {  	[dreg:$0x3] =	wrdreg s4  }
0xaa: {  	[dreg:$0x4] =	wrdreg $0xC0  }
0xab: {  	_ =	task [dreg:s6], $0x5FFFF  }
0xac: {  	[dreg:$0x1] =	wrdreg $0xFFFFFFFF  }
0xad: {  	[dreg:$0x0] =	wrdreg $0x60  }
0xae: {  	[dreg:$0x2] =	wrdreg s24  }
0xaf: {  	[dreg:$0x3] =	wrdreg $0x0  }
0xb0: {  	[dreg:$0x4] =	wrdreg $0x9  }
0xb1: {  	_ =	task.clear_ibuf [dreg:s6], $0x5FFFF;
	_ =	strace $0x9000004C  }
0xb2: {  	s29 =	simm.s32 $0x9;
	_ =	strace $0x8000004E  }
0xb3: {  	_ =	swait.ge [sflag:s29], $0x1  }
0xb4: {  	[sflag:s29] =	ssyncadd.s32 $0xFFFFFFFF  }
0xb5: {  	_ =	strace $0x9000004E  }
0xb6: {  	_ =	sfence  }
0xb7: {  	s30 =	sld [smem:$0x0];
	_ =	sdelay $0x2  }
0xb8: {  	s31 =	sshll.u32 s1, $0xD;
	s1 =	sshrl.u32 s1, $0x2  }
0xb9: {  	s3 =	sand.u32 $0x4000, s31;
	s1 =	sadd.s32 s1, s30  }
0xba: {  	s0 =	sor.u32 s3, s0;
	s1 =	sshll.u32 s1, $0x11  }
0xbb: {  	s0 =	sor.u32 s1, s0  }
0xbc: {  	s0 =	sadd.s32 $0x8F2B, s0  }
0xbd: {  	[sflag:s0] =	ssyncadd.remote.s32 $0x1  }
0xbe: {  	_ =	sfence.sel $0xFFFF  }
0xbf: {  	[dreg:$0x0] =	wrdreg $0xFFFFFFFF;
	(pc) =	sbr.abs _section_cstart, $3  }
0xc0: {  	[dreg:$0x1] =	wrdreg $0xFFFFFFFF  }
0xc1: {  	_ =	task.clear_ibuf [dreg:s6], $0x2FFFF;
	_ =	strace $0x9FFFFFFF  }
0xc2: {  	(tm) =	ssettm $0x7FFFFFFF  }
0xc3: {  	_ =	shalt  }
tec
execute0_lowered:
.L_overlay_start_1:
0x0: {  	(tag) =	ssettag $0x1  }
0x1: {  	s6 =	rddreg [dreg:$0x0]  }
0x2: {  	s0 =	srdreg.scid;
	s1 =	rddreg [dreg:$0x1];
	s3 =	simm.s32 $0x0  }
0x3: {  	s2 =	stileid.u32;
	s14 =	simm.s32 $0x14080;
	s15 =	simm.s32 $0x80  }
0x4: {  	s16 =	simm.s32 $0x14100;
	s17 =	simm.s32 $0x1;
	s9 =	smul.u32 $0x14000, s2  }
0x5: {  	s7 =	sand.u32 $0x1, s0;
	s0 =	rddreg [dreg:$0x2];
	s28 =	smul.u32 $0x50000, s2  }
0x6: {  	s18 =	simm.s32 $0x0;
	[smem:$0x7FF] =	sst s3;
	s11 =	smul.u32 $0x4F0, s2  }
0x7: {  	s4 =	sadd.s32 $0x19C00, s6;
	s31 =	sshll.u32 s2, $0x6;
	s5 =	smul.u32 $0x4F00, s7  }
0x8: {  	s8 =	smul.u32 $0x140000, s7;
	_ =	strace $0x8000004D;
	s7 =	ssub.s32 $0x2, s7  }
0x9: {  	s29 =	sshrl.u32 s7, $0x1;
	s30 =	sshrl.u32 s28, $0x2;
	s10 =	sadd.s32 s5, s6  }
0xa: {  	s5 =	sadd.s32 $0x17400, s6;
	s8 =	sadd.s32 s9, s8;
	s12 =	ssub.s32 s7, s29  }
0xb: {  	s13 =	sadd.s32 s30, s1;
	s8 =	sshrl.u32 s8, $0x3;
	s10 =	sadd.s32 s11, s10  }
0xc: {  	s11 =	sshrl.u32 s13, $0x3;
	s13 =	simm.s32 $0x14000;
	s8 =	sadd.s32 s8, s6  }
0xd: {  	s6 =	sor.u32 $0x1C02, s31;
	s9 =	sadd.s32 $0xD600, s10;
	s10 =	sadd.s32 $0x3800, s10  }
0xe: {  	s7 =	sadd.s32 $0x41C00, s8;
	s8 =	smax.u32 s12, $0x1;
	s12 =	simm.s32 $0x2  }
.LBB2_1:
0xf: {  	[spmem:s11], [sflag:s6] =	dma.local [hbm:s5], $0x2800  }
0x10: {  	_ =	swait.ge [sflag:s12], $0x2800  }
0x11: {  	[sflag:s12] =	ssyncset.done $0x0  }
0x12: {  	[sflag:s12] =	ssyncadd.s32 $0xFFFFD800  }
0x13: {  	s19 =	sadd.s32 $0x0, s10;
	[bflag:$0x0] =	sbarrier.arrive $0xFFFF  }
0x14: {  	[tilespmem:s13], [sflag:$0x2] =	stream.linear.gather [hbm4b:s19+s3], $0x80, $0x38;
	[tilespmem:$0x18100] =	vst v63  }
0x15: {  	_ =	swait.ge [sflag:s12], $0x80  }
0x16: {  	[sflag:s12] =	ssyncset.done $0x0  }
0x17: {  	s31 =	sadd.s32 $0x0, s9;
	[sflag:s12] =	ssyncadd.s32 $0xFFFFFF80  }
0x18: {  	[tilespmem:s14], [sflag:$0x2] =	stream.linear.gather [hbm4b:s31+s3], $0x80, $0x38;
	[tilespmem:$0x18100] =	vst v63  }
0x19: {  	_ =	swait.ge [sflag:s12], $0x80  }
0x1a: {  	[sflag:s12] =	ssyncset.done $0x0  }
0x1b: {  	[sflag:s12] =	ssyncadd.s32 $0xFFFFFF80  }
0x1c: {  	[tilespmem:s16], [sflag:$0x1] =	stream.indirect.gather [hbm4b:s4+s15], $0x80, s13, s15, $0xb8;
	[tilespmem:$0x18100] =	vst v63  }
0x1d: {  	_ =	swait.ge [sflag:s17], $0x4000  }
0x1e: {  	[sflag:s17] =	ssyncset.done $0x0  }
0x1f: {  	[sflag:s17] =	ssyncadd.s32 $0xFFFFC000  }
0x20: {  	[spmem:s1] =	stream.indirect.scatter.add.f32 [tilespmem:s16], [sflag:$0x2], $0x80, s14, s15, $0xb8;
	[tilespmem:$0x18100] =	vst v63  }
0x21: {  	_ =	swait.ge [sflag:s12], $0x4000  }
0x22: {  	s20 =	simm.s32 $0x20;
	s19 =	simm.s32 $0x10;
	[sflag:s12] =	ssyncset.done $0x0  }
.LBB2_2:
0x23: {  	s21 =	sadd.s32 s19, s10  }
0x24: {  	[sflag:s12] =	ssyncadd.s32 $0xFFFFC000;
	s22 =	smov.u32 s20;
	s23 =	sadd.s32 $0x10, s20  }
0x25: {  	[tilespmem:s13], [sflag:$0x2] =	stream.linear.gather [hbm4b:s21+s3], $0x80, $0x38;
	[tilespmem:$0x18100] =	vst v63  }
0x26: {  	p0 =	sne.s32 s20, $0x4E0;
	_ =	swait.ge [sflag:s12], $0x80  }
0x27: {  	[sflag:s12] =	ssyncset.done $0x0  }
0x28: {  	s20 =	sadd.s32 s19, s9;
	s19 =	smov.u32 s22;
	[sflag:s12] =	ssyncadd.s32 $0xFFFFFF80  }
0x29: {  	[tilespmem:s14], [sflag:$0x2] =	stream.linear.gather [hbm4b:s20+s3], $0x80, $0x38;
	[tilespmem:$0x18100] =	vst v63  }
0x2a: {  	_ =	swait.ge [sflag:s12], $0x80  }
0x2b: {  	[sflag:s12] =	ssyncset.done $0x0  }
0x2c: {  	[sflag:s12] =	ssyncadd.s32 $0xFFFFFF80  }
0x2d: {  	[tilespmem:s16], [sflag:$0x1] =	stream.indirect.gather [hbm4b:s4+s15], $0x80, s13, s15, $0xb8;
	[tilespmem:$0x18100] =	vst v63  }
0x2e: {  	_ =	swait.ge [sflag:s17], $0x4000  }
.Ltmp0:
0x2f: {  	[sflag:s17] =	ssyncset.done $0x0;
	(pc) =	sbr.rel @p0 .LBB2_2-.Ltmp0, $4  }
0x30: {  	[sflag:s17] =	ssyncadd.s32 $0xFFFFC000  }
0x31: {  	[spmem:s1] =	stream.indirect.scatter.add.f32 [tilespmem:s16], [sflag:$0x2], $0x80, s14, s15, $0xb8;
	[tilespmem:$0x18100] =	vst v63  }
0x32: {  	_ =	swait.ge [sflag:s12], $0x4000  }
0x33: {  	s20 =	smov.u32 s23;
	[sflag:s12] =	ssyncset.done $0x0  }
0x34: {  	s20 =	sadd.s32 s19, s10;
	[sflag:s12] =	ssyncadd.s32 $0xFFFFC000  }
0x35: {  	[tilespmem:s13], [sflag:$0x2] =	stream.linear.gather [hbm4b:s20+s3], $0x80, $0x38;
	[tilespmem:$0x18100] =	vst v63  }
0x36: {  	_ =	swait.ge [sflag:s12], $0x80  }
0x37: {  	[sflag:s12] =	ssyncset.done $0x0  }
0x38: {  	s31 =	sadd.s32 s19, s9;
	[sflag:s12] =	ssyncadd.s32 $0xFFFFFF80  }
0x39: {  	[tilespmem:s14], [sflag:$0x2] =	stream.linear.gather [hbm4b:s31+s3], $0x80, $0x38;
	[tilespmem:$0x18100] =	vst v63  }
0x3a: {  	_ =	swait.ge [sflag:s12], $0x80  }
0x3b: {  	[sflag:s12] =	ssyncset.done $0x0  }
0x3c: {  	[sflag:s12] =	ssyncadd.s32 $0xFFFFFF80  }
0x3d: {  	[tilespmem:s16], [sflag:$0x1] =	stream.indirect.gather [hbm4b:s4+s15], $0x80, s13, s15, $0xb8;
	[tilespmem:$0x18100] =	vst v63  }
0x3e: {  	_ =	swait.ge [sflag:s17], $0x4000  }
0x3f: {  	[sflag:s17] =	ssyncset.done $0x0  }
0x40: {  	[sflag:s17] =	ssyncadd.s32 $0xFFFFC000  }
0x41: {  	[spmem:s1] =	stream.indirect.scatter.add.f32 [tilespmem:s16], [sflag:$0x2], $0x80, s14, s15, $0xb8;
	[tilespmem:$0x18100] =	vst v63  }
0x42: {  	_ =	swait.ge [sflag:s12], $0x4000  }
0x43: {  	s18 =	sadd.s32 $0x1, s18;
	[sflag:s12] =	ssyncset.done $0x0  }
0x44: {  	p0 =	sne.s32 s18, s8;
	[sflag:s12] =	ssyncadd.s32 $0xFFFFC000  }
.Ltmp1:
0x45: {  	[bflag:$0x0] =	sbarrier.arrive $0xFFFF;
	(pc) =	sbr.rel @p0 .LBB2_1-.Ltmp1, $4  }
0x46: {  	[hbm:s7], [sflag:s6] =	dma.local [spmem:s11], $0x2800  }
0x47: {  	_ =	swait.ge [sflag:s12], $0x2800  }
0x48: {  	[sflag:s12] =	ssyncset.done $0x0  }
0x49: {  	[sflag:s12] =	ssyncadd.s32 $0xFFFFD800  }
0x4a: {  	_ =	sfence.sel $0x180000  }
0x4b: {  	[bflag:$0x0] =	sbarrier.arrive $0xFFFF  }
0x4c: {  	p0 =	sne.s32 s2, $0x0;
	_ =	strace $0x9000004D  }
0x4d: {  	s0 =	sadd.s32 @!p0 $0x100000, s0;
	[bflag:$0x2] =	sbarrier.arrive $0xFFFF  }
0x4e: {  	[sflag:s0] =	ssyncadd.tile.s32 @!p0 $0x1;
	_ =	shalt  }
.Lfunc_end2:
_tile_overlayer_lowered:
.L_overlay_start_2:
0x4f: {  	(tag) =	ssettag $0x2  }
0x50: {  	s0 =	rddreg [dreg:$0x0];
	s2 =	stileid.u32  }
0x51: {  	s1 =	rddreg [dreg:$0x1];
	p0 =	sne.s32 s2, $0x0  }
0x52: {  	s3 =	rddreg [dreg:$0x2];
	[bflag:$0x3] =	sbarrier.arrive $0xFFFF;
	s2 =	simm.s32 @!p0 $0x1C02  }
0x53: {  	[timem:s3], [sflag:s2] =	dma.local @!p0 [hbm:s0], s1  }
0x54: {  	s0 =	simm.s32 @!p0 $0x2  }
0x55: {  	_ =	swait.ge @!p0 [sflag:s0], s1  }
0x56: {  	s1 =	ssub.s32 @!p0 $0x0, s1;
	[sflag:s0] =	ssyncset.done @!p0 $0x0  }
0x57: {  	[sflag:s0] =	ssyncadd.s32 @!p0 s1  }
0x58: {  	[bflag:$0x3] =	sbarrier.arrive $0xFFFF  }
0x59: {  	_ =	shalt  }

// kernel: kernel.21.cloned.1.call-start
scs
__scs_entry_jumppad:
0x0: {  	(pc) =	sbr.rel $0x88, $3  }
0x1: {  	(tag) =	ssettag $0x0;
	lr =	simm.s32 $0x1  }
0x2: {  	[smem:$0x3F95] =	sst lr;
	_ =	strace $0xD0000000  }
0x3: {  	_ = 	snop  }
0x4: {  	_ = 	snop  }
0x5: {  	_ = 	snop  }
0x6: {  	_ = 	snop  }
0x7: {  	_ = 	snop  }
__scs_overlays_trampoline_lowered:
0x8: {  	[smem:$0x3FA4] =	sst s0  }
0x9: {  	[smem:$0x3FA5] =	sst s1  }
0xa: {  	[smem:$0x3FA6] =	sst s2  }
0xb: {  	[smem:$0x3FA7] =	sst s3  }
0xc: {  	[smem:$0x3FA8] =	sst s4  }
0xd: {  	[smem:$0x3FA9] =	sst s5  }
0xe: {  	[smem:$0x3FAA] =	sst s6  }
0xf: {  	[smem:$0x3FAB] =	sst s7  }
0x10: {  	[smem:$0x3FAC] =	sst s8  }
0x11: {  	[smem:$0x3FAD] =	sst s9;
	s0 =	simm.s32 @!p0 $0x0  }
0x12: {  	s1 =	sld [smem:$0x3F93];
	s0 =	simm.s32 @p0 $0x1  }
0x13: {  	[smem:$0x3FAE] =	sst s0;
	s0 =	simm.s32 @!p1 $0x0  }
0x14: {  	s2 =	sld [smem:$0x3F92];
	s0 =	simm.s32 @p1 $0x1  }
0x15: {  	[smem:$0x3FAF] =	sst s0;
	s0 =	simm.s32 @!p2 $0x0  }
0x16: {  	s3 =	sld [smem:$0x3FDB];
	s0 =	simm.s32 @p2 $0x1  }
0x17: {  	s4 =	simm.s32 $0x1BF5;
	[smem:$0x3FB1] =	sst s0  }
0x18: {  	s0 =	sld [smem:$0x3F94];
	_ =	swait.ge [sflag:s4], $0x0  }
0x19: {  	s7 =	sld [smem:$0x3F95]  }
0x1a: {  	s8 =	sadd.s32 $0xFFFFE003, lr  }
0x1b: {  	s9 =	sadd.s32 $0xFFFFFEF7, lr;
	s5 =	simm.s32 $0xFFFFFFFF;
	p2 =	slt.u32 s8, $0xFFFFF086  }
0x1c: {  	p1 =	slt.u32 s9, $0xF7A;
	s5 =	simm.s32 @!p2 $0x0  }
0x1d: {  	s5 =	simm.s32 @p1 $0x1;
	p0 =	seq.s32 s7, s2  }
0x1e: {  	s7 =	smul.u32 @!p0 $0xF7A, s2;
	p2 =	seq.s32 @!p0 s5, $0x0  }
0x1f: {  	s9 =	smul.u32 $0xF7A, s1;
	s8 =	simm.s32 @!p0 $0x1BF5;
	p2 =	por !p2, p0  }
0x20: {  	[sflag:s8] =	ssyncset.s32 @!p0 $0xFFFFF086;
	s6 =	sadd.s32 @!p0 s3, s7;
	s7 =	simm.s32 @!p0 $0x108  }
0x21: {  	s3 =	sadd.s32 s3, s9;
	s6 =	sadd.s32 @!p0 $0x88, s6;
	s7 =	simm.s32 @p2 $0x1082  }
0x22: {  	[simem:s7], [sflag:s8] =	dma.local @!p0 [hbm:s6], $0xF7A  }
0x23: {  	s9 =	sor.u32 $0xD0000000, s2;
	s6 =	simm.s32 $0x108;
	_ =	swait.ge @!p0 [sflag:s8], $0x0  }
0x24: {  	s3 =	sadd.s32 $0x88, s3;
	s6 =	simm.s32 @!p1 $0x1082;
	[sflag:s4] =	ssyncset.s32 $0xFFFFF086  }
0x25: {  	[simem:s6], [sflag:s4] =	dma.local [hbm:s3], $0xF7A  }
0x26: {  	[smem:$0x3F95] =	sst s1;
	(tag) =	ssettag s2;
	_ =	strace s9  }
0x27: {  	s1 =	sld [smem:$0x3FA5]  }
0x28: {  	s2 =	sld [smem:$0x3FA6]  }
0x29: {  	s4 =	sld [smem:$0x3FA8]  }
0x2a: {  	p0 =	seq.s32 s5, $0x0;
	s5 =	sld [smem:$0x3FA9]  }
0x2b: {  	s6 =	sld [smem:$0x3FAA]  }
0x2c: {  	s7 =	sld [smem:$0x3FAB]  }
0x2d: {  	s3 =	simm.s32 $0x108;
	s8 =	sld [smem:$0x3FAC]  }
0x2e: {  	s3 =	simm.s32 @!p0 $0x1082;
	s9 =	sld [smem:$0x3FAD]  }
0x2f: {  	lr =	sadd.s32 s0, s3;
	s0 =	sld [smem:$0x3FA4]  }
0x30: {  	s3 =	sld [smem:$0x3FA7]  }
0x31: {  	[smem:$0x3FB0] =	sst s10  }
0x32: {  	s10 =	sld [smem:$0x3FAE];
	_ =	sdelay $0x3  }
0x33: {  	p0 =	seq.s32 s10, $0x1;
	s10 =	sld [smem:$0x3FB0];
	_ =	sdelay $0x3  }
0x34: {  	[smem:$0x3FB0] =	sst s10  }
0x35: {  	s10 =	sld [smem:$0x3FAF];
	_ =	sdelay $0x3  }
0x36: {  	p1 =	seq.s32 s10, $0x1;
	s10 =	sld [smem:$0x3FB0];
	_ =	sdelay $0x3  }
0x37: {  	[smem:$0x3FB0] =	sst s10  }
0x38: {  	s10 =	sld [smem:$0x3FB1]  }
0x39: {  	_ = 	snop;
	(pc) =	sbr.ind lr, $3  }
0x3a: {  	_ = 	snop  }
0x3b: {  	_ = 	snop  }
0x3c: {  	p2 =	seq.s32 s10, $0x1;
	s10 =	sld [smem:$0x3FB0]  }
0x3d: {  	_ =	shalt  }
0x3e: {  	_ =	shalt  }
0x3f: {  	_ =	shalt  }
0x40: {  	_ =	shalt  }
0x41: {  	_ =	shalt  }
0x42: {  	_ =	shalt  }
0x43: {  	_ =	shalt  }
0x44: {  	_ =	shalt  }
0x45: {  	_ =	shalt  }
0x46: {  	_ =	shalt  }
0x47: {  	_ =	shalt  }
0x48: {  	_ =	shalt  }
0x49: {  	_ =	shalt  }
0x4a: {  	_ =	shalt  }
0x4b: {  	_ =	shalt  }
0x4c: {  	_ =	shalt  }
0x4d: {  	_ =	shalt  }
0x4e: {  	_ =	shalt  }
0x4f: {  	_ =	shalt  }
0x50: {  	_ =	shalt  }
0x51: {  	_ =	shalt  }
0x52: {  	_ =	shalt  }
0x53: {  	_ =	shalt  }
0x54: {  	_ =	shalt  }
0x55: {  	_ =	shalt  }
0x56: {  	_ =	shalt  }
0x57: {  	_ =	shalt  }
0x58: {  	_ =	shalt  }
0x59: {  	_ =	shalt  }
0x5a: {  	_ =	shalt  }
0x5b: {  	_ =	shalt  }
0x5c: {  	_ =	shalt  }
0x5d: {  	_ =	shalt  }
0x5e: {  	_ =	shalt  }
0x5f: {  	_ =	shalt  }
0x60: {  	_ =	shalt  }
0x61: {  	_ =	shalt  }
0x62: {  	_ =	shalt  }
0x63: {  	_ =	shalt  }
0x64: {  	_ =	shalt  }
0x65: {  	_ =	shalt  }
0x66: {  	_ =	shalt  }
0x67: {  	_ =	shalt  }
0x68: {  	_ =	shalt  }
0x69: {  	_ =	shalt  }
0x6a: {  	_ =	shalt  }
0x6b: {  	_ =	shalt  }
0x6c: {  	_ =	shalt  }
0x6d: {  	_ =	shalt  }
0x6e: {  	_ =	shalt  }
0x6f: {  	_ =	shalt  }
0x70: {  	_ =	shalt  }
0x71: {  	_ =	shalt  }
0x72: {  	_ =	shalt  }
0x73: {  	_ =	shalt  }
0x74: {  	_ =	shalt  }
0x75: {  	_ =	shalt  }
0x76: {  	_ =	shalt  }
0x77: {  	_ =	shalt  }
0x78: {  	_ =	shalt  }
0x79: {  	_ =	shalt  }
0x7a: {  	_ =	shalt  }
0x7b: {  	_ =	shalt  }
0x7c: {  	_ =	shalt  }
0x7d: {  	_ =	shalt  }
0x7e: {  	_ =	shalt  }
0x7f: {  	_ =	shalt  }
0x80: {  	_ =	shalt  }
0x81: {  	_ =	shalt  }
0x82: {  	_ =	shalt  }
0x83: {  	_ =	shalt  }
0x84: {  	_ =	shalt  }
0x85: {  	_ =	shalt  }
0x86: {  	_ =	shalt  }
0x87: {  	_ =	shalt  }
.Lfunc_end0:
.L_simem_size_0:
called_computation.3_lowered:
.L_overlay_start_0:
0x88: {  	s2 =	sld [smem:$0x3FD9]  }
0x89: {  	s3 =	sld [smem:$0x3FFE];
	_ =	sdelay $0x1  }
0x8a: {  	s1 =	srdreg.scid  }
0x8b: {  	s0 =	sand.u32 $0x1, s1  }
0x8c: {  	s16 =	sshll.u32 s0, $0xA;
	s2 =	sadd.s32 s3, s2  }
0x8d: {  	s2 =	sadd.s32 s2, s16  }
0x8e: {  	[smem:$0x3FBC] =	sst s2  }
0x8f: {  	_ = 	snop  }
0x90: {  	(tm) =	ssettm $0x1  }
0x91: {  	s17 =	sld [smem:$0x3FFB];
	_ =	sdelay $0x3  }
0x92: {  	_ =	strace s17  }
0x93: {  	s2 =	sld [smem:$0x3FFC];
	_ =	sdelay $0x3  }
0x94: {  	_ =	strace s2  }
0x95: {  	s2 =	sld [smem:$0x3FFD];
	_ =	sdelay $0x3  }
0x96: {  	_ =	strace s2  }
0x97: {  	_ =	strace $0x8FFFFFFF  }
0x98: {  	s18 =	sld [smem:$0x3FDB];
	_ =	sdelay $0x1  }
0x99: {  	s19 =	simm.s32 $_scs_section_size  }
0x9a: {  	s4 =	simm.s32 $_size__tile_overlayer_lowered;
	s5 =	simm.s32 $_tile_overlayer_lowered  }
0x9b: {  	s22 =	simm.s32 $0x1BFF;
	s21 =	sshll.u32 s5, $0x1;
	s2 =	sadd.s32 s19, s18  }
0x9c: {  	s6 =	simm.s32 $0x0;
	s20 =	sshll.u32 s4, $0x1;
	s4 =	sadd.s32 s21, s2  }
0x9d: {  	[timem:s6], [sflag:s22] =	dma.local [hbm:s4], s20  }
0x9e: {  	_ =	swait.ge [sflag:s22], s20  }
0x9f: {  	s3 =	ssub.s32 $0x0, s20;
	[sflag:s22] =	ssyncset.done $0x0  }
0xa0: {  	[sflag:s22] =	ssyncadd.s32 s3;
	_ =	sdelay $0x1  }
0xa1: {  	s23 =	simm.s32 $0x1B8B  }
0xa2: {  	_ =	swait.ge [sflag:s23], $0x1  }
0xa3: {  	[sflag:s23] =	ssyncset.done $0x0  }
0xa4: {  	s25 =	simm.s32 $0x1B8E;
	s24 =	sld [smem:$0x3FFE];
	[sflag:s23] =	ssyncadd.s32 $0xFFFFFFFF  }
0xa5: {  	s26 =	simm.s32 $execute0_lowered;
	[smem:$0x3FD2] =	sst s25  }
0xa6: {  	s4 =	sshll.u32 s26, $0x1;
	_ =	strace $0x8000004F;
	[dreg:$0x1] =	wrdreg $0xFFFFFFFF  }
0xa7: {  	s28 =	simm.s32 $_size_execute0_lowered;
	s2 =	sadd.s32 s2, s4;
	[dreg:$0x0] =	wrdreg $0x0  }
0xa8: {  	s4 =	sshll.u32 s28, $0x1;
	[dreg:$0x2] =	wrdreg s2  }
0xa9: {  	[dreg:$0x3] =	wrdreg s4  }
0xaa: {  	[dreg:$0x4] =	wrdreg $0xC0  }
0xab: {  	_ =	task [dreg:s6], $0x5FFFF  }
0xac: {  	[dreg:$0x1] =	wrdreg $0xFFFFFFFF  }
0xad: {  	[dreg:$0x0] =	wrdreg $0x60  }
0xae: {  	[dreg:$0x2] =	wrdreg s24  }
0xaf: {  	[dreg:$0x3] =	wrdreg $0x0  }
0xb0: {  	[dreg:$0x4] =	wrdreg $0x9  }
0xb1: {  	_ =	task.clear_ibuf [dreg:s6], $0x5FFFF;
	_ =	strace $0x9000004F  }
0xb2: {  	s29 =	simm.s32 $0x9;
	_ =	strace $0x80000051  }
0xb3: {  	_ =	swait.ge [sflag:s29], $0x1  }
0xb4: {  	[sflag:s29] =	ssyncadd.s32 $0xFFFFFFFF  }
0xb5: {  	_ =	strace $0x90000051  }
0xb6: {  	_ =	sfence  }
0xb7: {  	s30 =	sld [smem:$0x0];
	_ =	sdelay $0x2  }
0xb8: {  	s31 =	sshll.u32 s1, $0xD;
	s1 =	sshrl.u32 s1, $0x2  }
0xb9: {  	s3 =	sand.u32 $0x4000, s31;
	s1 =	sadd.s32 s1, s30  }
0xba: {  	s0 =	sor.u32 s3, s0;
	s1 =	sshll.u32 s1, $0x11  }
0xbb: {  	s0 =	sor.u32 s1, s0  }
0xbc: {  	s0 =	sadd.s32 $0x8F2B, s0  }
0xbd: {  	[sflag:s0] =	ssyncadd.remote.s32 $0x1  }
0xbe: {  	_ =	sfence.sel $0xFFFF  }
0xbf: {  	[dreg:$0x0] =	wrdreg $0xFFFFFFFF;
	(pc) =	sbr.abs _section_cstart, $3  }
0xc0: {  	[dreg:$0x1] =	wrdreg $0xFFFFFFFF  }
0xc1: {  	_ =	task.clear_ibuf [dreg:s6], $0x2FFFF;
	_ =	strace $0x9FFFFFFF  }
0xc2: {  	(tm) =	ssettm $0x7FFFFFFF  }
0xc3: {  	_ =	shalt  }
tec
execute0_lowered:
.L_overlay_start_1:
0x0: {  	(tag) =	ssettag $0x1  }
0x1: {  	s6 =	rddreg [dreg:$0x0]  }
0x2: {  	s0 =	srdreg.scid;
	s1 =	rddreg [dreg:$0x1];
	s3 =	simm.s32 $0x0  }
0x3: {  	s2 =	stileid.u32;
	s14 =	simm.s32 $0x14080;
	s15 =	simm.s32 $0x80  }
0x4: {  	s16 =	simm.s32 $0x14100;
	s17 =	simm.s32 $0x1;
	s9 =	smul.u32 $0x14000, s2  }
0x5: {  	s7 =	sand.u32 $0x1, s0;
	s0 =	rddreg [dreg:$0x2];
	s28 =	smul.u32 $0x50000, s2  }
0x6: {  	s18 =	simm.s32 $0x0;
	[smem:$0x7FF] =	sst s3;
	s11 =	smul.u32 $0x4F0, s2  }
0x7: {  	s4 =	sadd.s32 $0x19C00, s6;
	s31 =	sshll.u32 s2, $0x6;
	s5 =	smul.u32 $0x4F00, s7  }
0x8: {  	s8 =	smul.u32 $0x140000, s7;
	_ =	strace $0x80000050;
	s7 =	ssub.s32 $0x2, s7  }
0x9: {  	s29 =	sshrl.u32 s7, $0x1;
	s30 =	sshrl.u32 s28, $0x2;
	s10 =	sadd.s32 s5, s6  }
0xa: {  	s5 =	sadd.s32 $0x17400, s6;
	s8 =	sadd.s32 s9, s8;
	s12 =	ssub.s32 s7, s29  }
0xb: {  	s13 =	sadd.s32 s30, s1;
	s8 =	sshrl.u32 s8, $0x3;
	s10 =	sadd.s32 s11, s10  }
0xc: {  	s11 =	sshrl.u32 s13, $0x3;
	s13 =	simm.s32 $0x14000;
	s8 =	sadd.s32 s8, s6  }
0xd: {  	s6 =	sor.u32 $0x1C02, s31;
	s9 =	sadd.s32 $0xD600, s10;
	s10 =	sadd.s32 $0x3800, s10  }
0xe: {  	s7 =	sadd.s32 $0x41C00, s8;
	s8 =	smax.u32 s12, $0x1;
	s12 =	simm.s32 $0x2  }
.LBB2_1:
0xf: {  	[spmem:s11], [sflag:s6] =	dma.local [hbm:s5], $0x2800  }
0x10: {  	_ =	swait.ge [sflag:s12], $0x2800  }
0x11: {  	[sflag:s12] =	ssyncset.done $0x0  }
0x12: {  	[sflag:s12] =	ssyncadd.s32 $0xFFFFD800  }
0x13: {  	s19 =	sadd.s32 $0x0, s10;
	[bflag:$0x0] =	sbarrier.arrive $0xFFFF  }
0x14: {  	[tilespmem:s13], [sflag:$0x2] =	stream.linear.gather [hbm4b:s19+s3], $0x80, $0x38;
	[tilespmem:$0x18100] =	vst v63  }
0x15: {  	_ =	swait.ge [sflag:s12], $0x80  }
0x16: {  	[sflag:s12] =	ssyncset.done $0x0  }
0x17: {  	s31 =	sadd.s32 $0x0, s9;
	[sflag:s12] =	ssyncadd.s32 $0xFFFFFF80  }
0x18: {  	[tilespmem:s14], [sflag:$0x2] =	stream.linear.gather [hbm4b:s31+s3], $0x80, $0x38;
	[tilespmem:$0x18100] =	vst v63  }
0x19: {  	_ =	swait.ge [sflag:s12], $0x80  }
0x1a: {  	[sflag:s12] =	ssyncset.done $0x0  }
0x1b: {  	[sflag:s12] =	ssyncadd.s32 $0xFFFFFF80  }
0x1c: {  	[tilespmem:s16], [sflag:$0x1] =	stream.indirect.gather [hbm4b:s4+s15], $0x80, s13, s15, $0xb8;
	[tilespmem:$0x18100] =	vst v63  }
0x1d: {  	_ =	swait.ge [sflag:s17], $0x4000  }
0x1e: {  	[sflag:s17] =	ssyncset.done $0x0  }
0x1f: {  	[sflag:s17] =	ssyncadd.s32 $0xFFFFC000  }
0x20: {  	[spmem:s1] =	stream.indirect.scatter.add.f32 [tilespmem:s16], [sflag:$0x2], $0x80, s14, s15, $0xb8;
	[tilespmem:$0x18100] =	vst v63  }
0x21: {  	_ =	swait.ge [sflag:s12], $0x4000  }
0x22: {  	s20 =	simm.s32 $0x20;
	s19 =	simm.s32 $0x10;
	[sflag:s12] =	ssyncset.done $0x0  }
.LBB2_2:
0x23: {  	s21 =	sadd.s32 s19, s10  }
0x24: {  	[sflag:s12] =	ssyncadd.s32 $0xFFFFC000;
	s22 =	smov.u32 s20;
	s23 =	sadd.s32 $0x10, s20  }
0x25: {  	[tilespmem:s13], [sflag:$0x2] =	stream.linear.gather [hbm4b:s21+s3], $0x80, $0x38;
	[tilespmem:$0x18100] =	vst v63  }
0x26: {  	p0 =	sne.s32 s20, $0x4E0;
	_ =	swait.ge [sflag:s12], $0x80  }
0x27: {  	[sflag:s12] =	ssyncset.done $0x0  }
0x28: {  	s20 =	sadd.s32 s19, s9;
	s19 =	smov.u32 s22;
	[sflag:s12] =	ssyncadd.s32 $0xFFFFFF80  }
0x29: {  	[tilespmem:s14], [sflag:$0x2] =	stream.linear.gather [hbm4b:s20+s3], $0x80, $0x38;
	[tilespmem:$0x18100] =	vst v63  }
0x2a: {  	_ =	swait.ge [sflag:s12], $0x80  }
0x2b: {  	[sflag:s12] =	ssyncset.done $0x0  }
0x2c: {  	[sflag:s12] =	ssyncadd.s32 $0xFFFFFF80  }
0x2d: {  	[tilespmem:s16], [sflag:$0x1] =	stream.indirect.gather [hbm4b:s4+s15], $0x80, s13, s15, $0xb8;
	[tilespmem:$0x18100] =	vst v63  }
0x2e: {  	_ =	swait.ge [sflag:s17], $0x4000  }
.Ltmp0:
0x2f: {  	[sflag:s17] =	ssyncset.done $0x0;
	(pc) =	sbr.rel @p0 .LBB2_2-.Ltmp0, $4  }
0x30: {  	[sflag:s17] =	ssyncadd.s32 $0xFFFFC000  }
0x31: {  	[spmem:s1] =	stream.indirect.scatter.add.f32 [tilespmem:s16], [sflag:$0x2], $0x80, s14, s15, $0xb8;
	[tilespmem:$0x18100] =	vst v63  }
0x32: {  	_ =	swait.ge [sflag:s12], $0x4000  }
0x33: {  	s20 =	smov.u32 s23;
	[sflag:s12] =	ssyncset.done $0x0  }
0x34: {  	s20 =	sadd.s32 s19, s10;
	[sflag:s12] =	ssyncadd.s32 $0xFFFFC000  }
0x35: {  	[tilespmem:s13], [sflag:$0x2] =	stream.linear.gather [hbm4b:s20+s3], $0x80, $0x38;
	[tilespmem:$0x18100] =	vst v63  }
0x36: {  	_ =	swait.ge [sflag:s12], $0x80  }
0x37: {  	[sflag:s12] =	ssyncset.done $0x0  }
0x38: {  	s31 =	sadd.s32 s19, s9;
	[sflag:s12] =	ssyncadd.s32 $0xFFFFFF80  }
0x39: {  	[tilespmem:s14], [sflag:$0x2] =	stream.linear.gather [hbm4b:s31+s3], $0x80, $0x38;
	[tilespmem:$0x18100] =	vst v63  }
0x3a: {  	_ =	swait.ge [sflag:s12], $0x80  }
0x3b: {  	[sflag:s12] =	ssyncset.done $0x0  }
0x3c: {  	[sflag:s12] =	ssyncadd.s32 $0xFFFFFF80  }
0x3d: {  	[tilespmem:s16], [sflag:$0x1] =	stream.indirect.gather [hbm4b:s4+s15], $0x80, s13, s15, $0xb8;
	[tilespmem:$0x18100] =	vst v63  }
0x3e: {  	_ =	swait.ge [sflag:s17], $0x4000  }
0x3f: {  	[sflag:s17] =	ssyncset.done $0x0  }
0x40: {  	[sflag:s17] =	ssyncadd.s32 $0xFFFFC000  }
0x41: {  	[spmem:s1] =	stream.indirect.scatter.add.f32 [tilespmem:s16], [sflag:$0x2], $0x80, s14, s15, $0xb8;
	[tilespmem:$0x18100] =	vst v63  }
0x42: {  	_ =	swait.ge [sflag:s12], $0x4000  }
0x43: {  	s18 =	sadd.s32 $0x1, s18;
	[sflag:s12] =	ssyncset.done $0x0  }
0x44: {  	p0 =	sne.s32 s18, s8;
	[sflag:s12] =	ssyncadd.s32 $0xFFFFC000  }
.Ltmp1:
0x45: {  	[bflag:$0x0] =	sbarrier.arrive $0xFFFF;
	(pc) =	sbr.rel @p0 .LBB2_1-.Ltmp1, $4  }
0x46: {  	[hbm:s7], [sflag:s6] =	dma.local [spmem:s11], $0x2800  }
0x47: {  	_ =	swait.ge [sflag:s12], $0x2800  }
0x48: {  	[sflag:s12] =	ssyncset.done $0x0  }
0x49: {  	[sflag:s12] =	ssyncadd.s32 $0xFFFFD800  }
0x4a: {  	_ =	sfence.sel $0x180000  }
0x4b: {  	[bflag:$0x0] =	sbarrier.arrive $0xFFFF  }
0x4c: {  	p0 =	sne.s32 s2, $0x0;
	_ =	strace $0x90000050  }
0x4d: {  	s0 =	sadd.s32 @!p0 $0x100000, s0;
	[bflag:$0x2] =	sbarrier.arrive $0xFFFF  }
0x4e: {  	[sflag:s0] =	ssyncadd.tile.s32 @!p0 $0x1;
	_ =	shalt  }
.Lfunc_end2:
_tile_overlayer_lowered:
.L_overlay_start_2:
0x4f: {  	(tag) =	ssettag $0x2  }
0x50: {  	s0 =	rddreg [dreg:$0x0];
	s2 =	stileid.u32  }
0x51: {  	s1 =	rddreg [dreg:$0x1];
	p0 =	sne.s32 s2, $0x0  }
0x52: {  	s3 =	rddreg [dreg:$0x2];
	[bflag:$0x3] =	sbarrier.arrive $0xFFFF;
	s2 =	simm.s32 @!p0 $0x1C02  }
0x53: {  	[timem:s3], [sflag:s2] =	dma.local @!p0 [hbm:s0], s1  }
0x54: {  	s0 =	simm.s32 @!p0 $0x2  }
0x55: {  	_ =	swait.ge @!p0 [sflag:s0], s1  }
0x56: {  	s1 =	ssub.s32 @!p0 $0x0, s1;
	[sflag:s0] =	ssyncset.done @!p0 $0x0  }
0x57: {  	[sflag:s0] =	ssyncadd.s32 @!p0 s1  }
0x58: {  	[bflag:$0x3] =	sbarrier.arrive $0xFFFF  }
0x59: {  	_ =	shalt  }

// kernel: kernel.24.cloned.1.call-start
scs
__scs_entry_jumppad:
0x0: {  	(pc) =	sbr.rel $0x88, $3  }
0x1: {  	(tag) =	ssettag $0x0;
	lr =	simm.s32 $0x1  }
0x2: {  	[smem:$0x3F95] =	sst lr;
	_ =	strace $0xD0000000  }
0x3: {  	_ = 	snop  }
0x4: {  	_ = 	snop  }
0x5: {  	_ = 	snop  }
0x6: {  	_ = 	snop  }
0x7: {  	_ = 	snop  }
__scs_overlays_trampoline_lowered:
0x8: {  	[smem:$0x3FA4] =	sst s0  }
0x9: {  	[smem:$0x3FA5] =	sst s1  }
0xa: {  	[smem:$0x3FA6] =	sst s2  }
0xb: {  	[smem:$0x3FA7] =	sst s3  }
0xc: {  	[smem:$0x3FA8] =	sst s4  }
0xd: {  	[smem:$0x3FA9] =	sst s5  }
0xe: {  	[smem:$0x3FAA] =	sst s6  }
0xf: {  	[smem:$0x3FAB] =	sst s7  }
0x10: {  	[smem:$0x3FAC] =	sst s8  }
0x11: {  	[smem:$0x3FAD] =	sst s9;
	s0 =	simm.s32 @!p0 $0x0  }
0x12: {  	s1 =	sld [smem:$0x3F93];
	s0 =	simm.s32 @p0 $0x1  }
0x13: {  	[smem:$0x3FAE] =	sst s0;
	s0 =	simm.s32 @!p1 $0x0  }
0x14: {  	s2 =	sld [smem:$0x3F92];
	s0 =	simm.s32 @p1 $0x1  }
0x15: {  	[smem:$0x3FAF] =	sst s0;
	s0 =	simm.s32 @!p2 $0x0  }
0x16: {  	s3 =	sld [smem:$0x3FDB];
	s0 =	simm.s32 @p2 $0x1  }
0x17: {  	s4 =	simm.s32 $0x1BF5;
	[smem:$0x3FB1] =	sst s0  }
0x18: {  	s0 =	sld [smem:$0x3F94];
	_ =	swait.ge [sflag:s4], $0x0  }
0x19: {  	s7 =	sld [smem:$0x3F95]  }
0x1a: {  	s8 =	sadd.s32 $0xFFFFE003, lr  }
0x1b: {  	s9 =	sadd.s32 $0xFFFFFEF7, lr;
	s5 =	simm.s32 $0xFFFFFFFF;
	p2 =	slt.u32 s8, $0xFFFFF086  }
0x1c: {  	p1 =	slt.u32 s9, $0xF7A;
	s5 =	simm.s32 @!p2 $0x0  }
0x1d: {  	s5 =	simm.s32 @p1 $0x1;
	p0 =	seq.s32 s7, s2  }
0x1e: {  	s7 =	smul.u32 @!p0 $0xF7A, s2;
	p2 =	seq.s32 @!p0 s5, $0x0  }
0x1f: {  	s9 =	smul.u32 $0xF7A, s1;
	s8 =	simm.s32 @!p0 $0x1BF5;
	p2 =	por !p2, p0  }
0x20: {  	[sflag:s8] =	ssyncset.s32 @!p0 $0xFFFFF086;
	s6 =	sadd.s32 @!p0 s3, s7;
	s7 =	simm.s32 @!p0 $0x108  }
0x21: {  	s3 =	sadd.s32 s3, s9;
	s6 =	sadd.s32 @!p0 $0x88, s6;
	s7 =	simm.s32 @p2 $0x1082  }
0x22: {  	[simem:s7], [sflag:s8] =	dma.local @!p0 [hbm:s6], $0xF7A  }
0x23: {  	s9 =	sor.u32 $0xD0000000, s2;
	s6 =	simm.s32 $0x108;
	_ =	swait.ge @!p0 [sflag:s8], $0x0  }
0x24: {  	s3 =	sadd.s32 $0x88, s3;
	s6 =	simm.s32 @!p1 $0x1082;
	[sflag:s4] =	ssyncset.s32 $0xFFFFF086  }
0x25: {  	[simem:s6], [sflag:s4] =	dma.local [hbm:s3], $0xF7A  }
0x26: {  	[smem:$0x3F95] =	sst s1;
	(tag) =	ssettag s2;
	_ =	strace s9  }
0x27: {  	s1 =	sld [smem:$0x3FA5]  }
0x28: {  	s2 =	sld [smem:$0x3FA6]  }
0x29: {  	s4 =	sld [smem:$0x3FA8]  }
0x2a: {  	p0 =	seq.s32 s5, $0x0;
	s5 =	sld [smem:$0x3FA9]  }
0x2b: {  	s6 =	sld [smem:$0x3FAA]  }
0x2c: {  	s7 =	sld [smem:$0x3FAB]  }
0x2d: {  	s3 =	simm.s32 $0x108;
	s8 =	sld [smem:$0x3FAC]  }
0x2e: {  	s3 =	simm.s32 @!p0 $0x1082;
	s9 =	sld [smem:$0x3FAD]  }
0x2f: {  	lr =	sadd.s32 s0, s3;
	s0 =	sld [smem:$0x3FA4]  }
0x30: {  	s3 =	sld [smem:$0x3FA7]  }
0x31: {  	[smem:$0x3FB0] =	sst s10  }
0x32: {  	s10 =	sld [smem:$0x3FAE];
	_ =	sdelay $0x3  }
0x33: {  	p0 =	seq.s32 s10, $0x1;
	s10 =	sld [smem:$0x3FB0];
	_ =	sdelay $0x3  }
0x34: {  	[smem:$0x3FB0] =	sst s10  }
0x35: {  	s10 =	sld [smem:$0x3FAF];
	_ =	sdelay $0x3  }
0x36: {  	p1 =	seq.s32 s10, $0x1;
	s10 =	sld [smem:$0x3FB0];
	_ =	sdelay $0x3  }
0x37: {  	[smem:$0x3FB0] =	sst s10  }
0x38: {  	s10 =	sld [smem:$0x3FB1]  }
0x39: {  	_ = 	snop;
	(pc) =	sbr.ind lr, $3  }
0x3a: {  	_ = 	snop  }
0x3b: {  	_ = 	snop  }
0x3c: {  	p2 =	seq.s32 s10, $0x1;
	s10 =	sld [smem:$0x3FB0]  }
0x3d: {  	_ =	shalt  }
0x3e: {  	_ =	shalt  }
0x3f: {  	_ =	shalt  }
0x40: {  	_ =	shalt  }
0x41: {  	_ =	shalt  }
0x42: {  	_ =	shalt  }
0x43: {  	_ =	shalt  }
0x44: {  	_ =	shalt  }
0x45: {  	_ =	shalt  }
0x46: {  	_ =	shalt  }
0x47: {  	_ =	shalt  }
0x48: {  	_ =	shalt  }
0x49: {  	_ =	shalt  }
0x4a: {  	_ =	shalt  }
0x4b: {  	_ =	shalt  }
0x4c: {  	_ =	shalt  }
0x4d: {  	_ =	shalt  }
0x4e: {  	_ =	shalt  }
0x4f: {  	_ =	shalt  }
0x50: {  	_ =	shalt  }
0x51: {  	_ =	shalt  }
0x52: {  	_ =	shalt  }
0x53: {  	_ =	shalt  }
0x54: {  	_ =	shalt  }
0x55: {  	_ =	shalt  }
0x56: {  	_ =	shalt  }
0x57: {  	_ =	shalt  }
0x58: {  	_ =	shalt  }
0x59: {  	_ =	shalt  }
0x5a: {  	_ =	shalt  }
0x5b: {  	_ =	shalt  }
0x5c: {  	_ =	shalt  }
0x5d: {  	_ =	shalt  }
0x5e: {  	_ =	shalt  }
0x5f: {  	_ =	shalt  }
0x60: {  	_ =	shalt  }
0x61: {  	_ =	shalt  }
0x62: {  	_ =	shalt  }
0x63: {  	_ =	shalt  }
0x64: {  	_ =	shalt  }
0x65: {  	_ =	shalt  }
0x66: {  	_ =	shalt  }
0x67: {  	_ =	shalt  }
0x68: {  	_ =	shalt  }
0x69: {  	_ =	shalt  }
0x6a: {  	_ =	shalt  }
0x6b: {  	_ =	shalt  }
0x6c: {  	_ =	shalt  }
0x6d: {  	_ =	shalt  }
0x6e: {  	_ =	shalt  }
0x6f: {  	_ =	shalt  }
0x70: {  	_ =	shalt  }
0x71: {  	_ =	shalt  }
0x72: {  	_ =	shalt  }
0x73: {  	_ =	shalt  }
0x74: {  	_ =	shalt  }
0x75: {  	_ =	shalt  }
0x76: {  	_ =	shalt  }
0x77: {  	_ =	shalt  }
0x78: {  	_ =	shalt  }
0x79: {  	_ =	shalt  }
0x7a: {  	_ =	shalt  }
0x7b: {  	_ =	shalt  }
0x7c: {  	_ =	shalt  }
0x7d: {  	_ =	shalt  }
0x7e: {  	_ =	shalt  }
0x7f: {  	_ =	shalt  }
0x80: {  	_ =	shalt  }
0x81: {  	_ =	shalt  }
0x82: {  	_ =	shalt  }
0x83: {  	_ =	shalt  }
0x84: {  	_ =	shalt  }
0x85: {  	_ =	shalt  }
0x86: {  	_ =	shalt  }
0x87: {  	_ =	shalt  }
.Lfunc_end0:
.L_simem_size_0:
called_computation.4_lowered:
.L_overlay_start_0:
0x88: {  	s2 =	sld [smem:$0x3FD9]  }
0x89: {  	s3 =	sld [smem:$0x3FFE];
	_ =	sdelay $0x1  }
0x8a: {  	s1 =	srdreg.scid  }
0x8b: {  	s0 =	sand.u32 $0x1, s1  }
0x8c: {  	s16 =	sshll.u32 s0, $0xA;
	s2 =	sadd.s32 s3, s2  }
0x8d: {  	s2 =	sadd.s32 s2, s16  }
0x8e: {  	[smem:$0x3FBC] =	sst s2  }
0x8f: {  	_ = 	snop  }
0x90: {  	(tm) =	ssettm $0x1  }
0x91: {  	s17 =	sld [smem:$0x3FFB];
	_ =	sdelay $0x3  }
0x92: {  	_ =	strace s17  }
0x93: {  	s2 =	sld [smem:$0x3FFC];
	_ =	sdelay $0x3  }
0x94: {  	_ =	strace s2  }
0x95: {  	s2 =	sld [smem:$0x3FFD];
	_ =	sdelay $0x3  }
0x96: {  	_ =	strace s2  }
0x97: {  	_ =	strace $0x8FFFFFFF  }
0x98: {  	s18 =	sld [smem:$0x3FDB];
	_ =	sdelay $0x1  }
0x99: {  	s19 =	simm.s32 $_scs_section_size  }
0x9a: {  	s4 =	simm.s32 $_size__tile_overlayer_lowered;
	s5 =	simm.s32 $_tile_overlayer_lowered  }
0x9b: {  	s22 =	simm.s32 $0x1BFF;
	s21 =	sshll.u32 s5, $0x1;
	s2 =	sadd.s32 s19, s18  }
0x9c: {  	s6 =	simm.s32 $0x0;
	s20 =	sshll.u32 s4, $0x1;
	s4 =	sadd.s32 s21, s2  }
0x9d: {  	[timem:s6], [sflag:s22] =	dma.local [hbm:s4], s20  }
0x9e: {  	_ =	swait.ge [sflag:s22], s20  }
0x9f: {  	s3 =	ssub.s32 $0x0, s20;
	[sflag:s22] =	ssyncset.done $0x0  }
0xa0: {  	[sflag:s22] =	ssyncadd.s32 s3;
	_ =	sdelay $0x1  }
0xa1: {  	s23 =	simm.s32 $0x1B8B  }
0xa2: {  	_ =	swait.ge [sflag:s23], $0x1  }
0xa3: {  	[sflag:s23] =	ssyncset.done $0x0  }
0xa4: {  	s25 =	simm.s32 $0x1B8E;
	s24 =	sld [smem:$0x3FFE];
	[sflag:s23] =	ssyncadd.s32 $0xFFFFFFFF  }
0xa5: {  	s26 =	simm.s32 $execute0_lowered;
	[smem:$0x3FD2] =	sst s25  }
0xa6: {  	s4 =	sshll.u32 s26, $0x1;
	_ =	strace $0x80000052;
	[dreg:$0x1] =	wrdreg $0xFFFFFFFF  }
0xa7: {  	s28 =	simm.s32 $_size_execute0_lowered;
	s2 =	sadd.s32 s2, s4;
	[dreg:$0x0] =	wrdreg $0x0  }
0xa8: {  	s4 =	sshll.u32 s28, $0x1;
	[dreg:$0x2] =	wrdreg s2  }
0xa9: {  	[dreg:$0x3] =	wrdreg s4  }
0xaa: {  	[dreg:$0x4] =	wrdreg $0xC0  }
0xab: {  	_ =	task [dreg:s6], $0x5FFFF  }
0xac: {  	[dreg:$0x1] =	wrdreg $0xFFFFFFFF  }
0xad: {  	[dreg:$0x0] =	wrdreg $0x60  }
0xae: {  	[dreg:$0x2] =	wrdreg s24  }
0xaf: {  	[dreg:$0x3] =	wrdreg $0x0  }
0xb0: {  	[dreg:$0x4] =	wrdreg $0x9  }
0xb1: {  	_ =	task.clear_ibuf [dreg:s6], $0x5FFFF;
	_ =	strace $0x90000052  }
0xb2: {  	s29 =	simm.s32 $0x9;
	_ =	strace $0x80000054  }
0xb3: {  	_ =	swait.ge [sflag:s29], $0x1  }
0xb4: {  	[sflag:s29] =	ssyncadd.s32 $0xFFFFFFFF  }
0xb5: {  	_ =	strace $0x90000054  }
0xb6: {  	_ =	sfence  }
0xb7: {  	s30 =	sld [smem:$0x0];
	_ =	sdelay $0x2  }
0xb8: {  	s31 =	sshll.u32 s1, $0xD;
	s1 =	sshrl.u32 s1, $0x2  }
0xb9: {  	s3 =	sand.u32 $0x4000, s31;
	s1 =	sadd.s32 s1, s30  }
0xba: {  	s0 =	sor.u32 s3, s0;
	s1 =	sshll.u32 s1, $0x11  }
0xbb: {  	s0 =	sor.u32 s1, s0  }
0xbc: {  	s0 =	sadd.s32 $0x8F2B, s0  }
0xbd: {  	[sflag:s0] =	ssyncadd.remote.s32 $0x1  }
0xbe: {  	_ =	sfence.sel $0xFFFF  }
0xbf: {  	[dreg:$0x0] =	wrdreg $0xFFFFFFFF;
	(pc) =	sbr.abs _section_cstart, $3  }
0xc0: {  	[dreg:$0x1] =	wrdreg $0xFFFFFFFF  }
0xc1: {  	_ =	task.clear_ibuf [dreg:s6], $0x2FFFF;
	_ =	strace $0x9FFFFFFF  }
0xc2: {  	(tm) =	ssettm $0x7FFFFFFF  }
0xc3: {  	_ =	shalt  }
tec
execute0_lowered:
.L_overlay_start_1:
0x0: {  	(tag) =	ssettag $0x1  }
0x1: {  	s6 =	rddreg [dreg:$0x0]  }
0x2: {  	s0 =	srdreg.scid;
	s1 =	rddreg [dreg:$0x1];
	s3 =	simm.s32 $0x0  }
0x3: {  	s2 =	stileid.u32;
	s14 =	simm.s32 $0x14080;
	s15 =	simm.s32 $0x80  }
0x4: {  	s16 =	simm.s32 $0x14100;
	s17 =	simm.s32 $0x1;
	s9 =	smul.u32 $0x14000, s2  }
0x5: {  	s7 =	sand.u32 $0x1, s0;
	s0 =	rddreg [dreg:$0x2];
	s28 =	smul.u32 $0x50000, s2  }
0x6: {  	s18 =	simm.s32 $0x0;
	[smem:$0x7FF] =	sst s3;
	s11 =	smul.u32 $0x4F0, s2  }
0x7: {  	s4 =	sadd.s32 $0x19C00, s6;
	s31 =	sshll.u32 s2, $0x6;
	s5 =	smul.u32 $0x4F00, s7  }
0x8: {  	s8 =	smul.u32 $0x140000, s7;
	_ =	strace $0x80000053;
	s7 =	ssub.s32 $0x2, s7  }
0x9: {  	s29 =	sshrl.u32 s7, $0x1;
	s30 =	sshrl.u32 s28, $0x2;
	s10 =	sadd.s32 s5, s6  }
0xa: {  	s5 =	sadd.s32 $0x17400, s6;
	s8 =	sadd.s32 s9, s8;
	s12 =	ssub.s32 s7, s29  }
0xb: {  	s13 =	sadd.s32 s30, s1;
	s8 =	sshrl.u32 s8, $0x3;
	s10 =	sadd.s32 s11, s10  }
0xc: {  	s11 =	sshrl.u32 s13, $0x3;
	s13 =	simm.s32 $0x14000;
	s8 =	sadd.s32 s8, s6  }
0xd: {  	s6 =	sor.u32 $0x1C02, s31;
	s9 =	sadd.s32 $0xD600, s10;
	s10 =	sadd.s32 $0x3800, s10  }
0xe: {  	s7 =	sadd.s32 $0x41C00, s8;
	s8 =	smax.u32 s12, $0x1;
	s12 =	simm.s32 $0x2  }
.LBB2_1:
0xf: {  	[spmem:s11], [sflag:s6] =	dma.local [hbm:s5], $0x2800  }
0x10: {  	_ =	swait.ge [sflag:s12], $0x2800  }
0x11: {  	[sflag:s12] =	ssyncset.done $0x0  }
0x12: {  	[sflag:s12] =	ssyncadd.s32 $0xFFFFD800  }
0x13: {  	s19 =	sadd.s32 $0x0, s10;
	[bflag:$0x0] =	sbarrier.arrive $0xFFFF  }
0x14: {  	[tilespmem:s13], [sflag:$0x2] =	stream.linear.gather [hbm4b:s19+s3], $0x80, $0x38;
	[tilespmem:$0x18100] =	vst v63  }
0x15: {  	_ =	swait.ge [sflag:s12], $0x80  }
0x16: {  	[sflag:s12] =	ssyncset.done $0x0  }
0x17: {  	s31 =	sadd.s32 $0x0, s9;
	[sflag:s12] =	ssyncadd.s32 $0xFFFFFF80  }
0x18: {  	[tilespmem:s14], [sflag:$0x2] =	stream.linear.gather [hbm4b:s31+s3], $0x80, $0x38;
	[tilespmem:$0x18100] =	vst v63  }
0x19: {  	_ =	swait.ge [sflag:s12], $0x80  }
0x1a: {  	[sflag:s12] =	ssyncset.done $0x0  }
0x1b: {  	[sflag:s12] =	ssyncadd.s32 $0xFFFFFF80  }
0x1c: {  	[tilespmem:s16], [sflag:$0x1] =	stream.indirect.gather [hbm4b:s4+s15], $0x80, s13, s15, $0xb8;
	[tilespmem:$0x18100] =	vst v63  }
0x1d: {  	_ =	swait.ge [sflag:s17], $0x4000  }
0x1e: {  	[sflag:s17] =	ssyncset.done $0x0  }
0x1f: {  	[sflag:s17] =	ssyncadd.s32 $0xFFFFC000  }
0x20: {  	[spmem:s1] =	stream.indirect.scatter.add.f32 [tilespmem:s16], [sflag:$0x2], $0x80, s14, s15, $0xb8;
	[tilespmem:$0x18100] =	vst v63  }
0x21: {  	_ =	swait.ge [sflag:s12], $0x4000  }
0x22: {  	s20 =	simm.s32 $0x20;
	s19 =	simm.s32 $0x10;
	[sflag:s12] =	ssyncset.done $0x0  }
.LBB2_2:
0x23: {  	s21 =	sadd.s32 s19, s10  }
0x24: {  	[sflag:s12] =	ssyncadd.s32 $0xFFFFC000;
	s22 =	smov.u32 s20;
	s23 =	sadd.s32 $0x10, s20  }
0x25: {  	[tilespmem:s13], [sflag:$0x2] =	stream.linear.gather [hbm4b:s21+s3], $0x80, $0x38;
	[tilespmem:$0x18100] =	vst v63  }
0x26: {  	p0 =	sne.s32 s20, $0x4E0;
	_ =	swait.ge [sflag:s12], $0x80  }
0x27: {  	[sflag:s12] =	ssyncset.done $0x0  }
0x28: {  	s20 =	sadd.s32 s19, s9;
	s19 =	smov.u32 s22;
	[sflag:s12] =	ssyncadd.s32 $0xFFFFFF80  }
0x29: {  	[tilespmem:s14], [sflag:$0x2] =	stream.linear.gather [hbm4b:s20+s3], $0x80, $0x38;
	[tilespmem:$0x18100] =	vst v63  }
0x2a: {  	_ =	swait.ge [sflag:s12], $0x80  }
0x2b: {  	[sflag:s12] =	ssyncset.done $0x0  }
0x2c: {  	[sflag:s12] =	ssyncadd.s32 $0xFFFFFF80  }
0x2d: {  	[tilespmem:s16], [sflag:$0x1] =	stream.indirect.gather [hbm4b:s4+s15], $0x80, s13, s15, $0xb8;
	[tilespmem:$0x18100] =	vst v63  }
0x2e: {  	_ =	swait.ge [sflag:s17], $0x4000  }
.Ltmp0:
0x2f: {  	[sflag:s17] =	ssyncset.done $0x0;
	(pc) =	sbr.rel @p0 .LBB2_2-.Ltmp0, $4  }
0x30: {  	[sflag:s17] =	ssyncadd.s32 $0xFFFFC000  }
0x31: {  	[spmem:s1] =	stream.indirect.scatter.add.f32 [tilespmem:s16], [sflag:$0x2], $0x80, s14, s15, $0xb8;
	[tilespmem:$0x18100] =	vst v63  }
0x32: {  	_ =	swait.ge [sflag:s12], $0x4000  }
0x33: {  	s20 =	smov.u32 s23;
	[sflag:s12] =	ssyncset.done $0x0  }
0x34: {  	s20 =	sadd.s32 s19, s10;
	[sflag:s12] =	ssyncadd.s32 $0xFFFFC000  }
0x35: {  	[tilespmem:s13], [sflag:$0x2] =	stream.linear.gather [hbm4b:s20+s3], $0x80, $0x38;
	[tilespmem:$0x18100] =	vst v63  }
0x36: {  	_ =	swait.ge [sflag:s12], $0x80  }
0x37: {  	[sflag:s12] =	ssyncset.done $0x0  }
0x38: {  	s31 =	sadd.s32 s19, s9;
	[sflag:s12] =	ssyncadd.s32 $0xFFFFFF80  }
0x39: {  	[tilespmem:s14], [sflag:$0x2] =	stream.linear.gather [hbm4b:s31+s3], $0x80, $0x38;
	[tilespmem:$0x18100] =	vst v63  }
0x3a: {  	_ =	swait.ge [sflag:s12], $0x80  }
0x3b: {  	[sflag:s12] =	ssyncset.done $0x0  }
0x3c: {  	[sflag:s12] =	ssyncadd.s32 $0xFFFFFF80  }
0x3d: {  	[tilespmem:s16], [sflag:$0x1] =	stream.indirect.gather [hbm4b:s4+s15], $0x80, s13, s15, $0xb8;
	[tilespmem:$0x18100] =	vst v63  }
0x3e: {  	_ =	swait.ge [sflag:s17], $0x4000  }
0x3f: {  	[sflag:s17] =	ssyncset.done $0x0  }
0x40: {  	[sflag:s17] =	ssyncadd.s32 $0xFFFFC000  }
0x41: {  	[spmem:s1] =	stream.indirect.scatter.add.f32 [tilespmem:s16], [sflag:$0x2], $0x80, s14, s15, $0xb8;
	[tilespmem:$0x18100] =	vst v63  }
0x42: {  	_ =	swait.ge [sflag:s12], $0x4000  }
0x43: {  	s18 =	sadd.s32 $0x1, s18;
	[sflag:s12] =	ssyncset.done $0x0  }
0x44: {  	p0 =	sne.s32 s18, s8;
	[sflag:s12] =	ssyncadd.s32 $0xFFFFC000  }
.Ltmp1:
0x45: {  	[bflag:$0x0] =	sbarrier.arrive $0xFFFF;
	(pc) =	sbr.rel @p0 .LBB2_1-.Ltmp1, $4  }
0x46: {  	[hbm:s7], [sflag:s6] =	dma.local [spmem:s11], $0x2800  }
0x47: {  	_ =	swait.ge [sflag:s12], $0x2800  }
0x48: {  	[sflag:s12] =	ssyncset.done $0x0  }
0x49: {  	[sflag:s12] =	ssyncadd.s32 $0xFFFFD800  }
0x4a: {  	_ =	sfence.sel $0x180000  }
0x4b: {  	[bflag:$0x0] =	sbarrier.arrive $0xFFFF  }
0x4c: {  	p0 =	sne.s32 s2, $0x0;
	_ =	strace $0x90000053  }
0x4d: {  	s0 =	sadd.s32 @!p0 $0x100000, s0;
	[bflag:$0x2] =	sbarrier.arrive $0xFFFF  }
0x4e: {  	[sflag:s0] =	ssyncadd.tile.s32 @!p0 $0x1;
	_ =	shalt  }
.Lfunc_end2:
_tile_overlayer_lowered:
.L_overlay_start_2:
0x4f: {  	(tag) =	ssettag $0x2  }
0x50: {  	s0 =	rddreg [dreg:$0x0];
	s2 =	stileid.u32  }
0x51: {  	s1 =	rddreg [dreg:$0x1];
	p0 =	sne.s32 s2, $0x0  }
0x52: {  	s3 =	rddreg [dreg:$0x2];
	[bflag:$0x3] =	sbarrier.arrive $0xFFFF;
	s2 =	simm.s32 @!p0 $0x1C02  }
0x53: {  	[timem:s3], [sflag:s2] =	dma.local @!p0 [hbm:s0], s1  }
0x54: {  	s0 =	simm.s32 @!p0 $0x2  }
0x55: {  	_ =	swait.ge @!p0 [sflag:s0], s1  }
0x56: {  	s1 =	ssub.s32 @!p0 $0x0, s1;
	[sflag:s0] =	ssyncset.done @!p0 $0x0  }
0x57: {  	[sflag:s0] =	ssyncadd.s32 @!p0 s1  }
0x58: {  	[bflag:$0x3] =	sbarrier.arrive $0xFFFF  }
0x59: {  	_ =	shalt  }

</sc_bundles>
